<compile_context>
chip_gen: v7x
topology: tpu7x:2x2x1
jax: 0.10.2.dev20260603
libtpu: 0.0.44.dev20260713+nightly
codegen_flags: <defaults>
</compile_context>

<pallas_src>
import functools

import jax
import jax.numpy as jnp
from jax import lax
from jax.experimental import pallas as pl
from jax.experimental.pallas import tpu as pltpu
from jax.experimental.pallas import tpu_sc as plsc

N_NODES = 10000
D = 128
NC = 2
NS = 16
NW = NC * NS
K = 128
NP = 10112


def _segment_sum_sc(x, src2d, dst2d, zeros):
    n_rows = src2d.shape[0]
    n_chunks = n_rows // NW
    init_rows = NP // NS

    mesh = plsc.VectorSubcoreMesh(core_axis_name="c", subcore_axis_name="s",
                                  num_cores=NC, num_subcores=NS)

    @functools.partial(
        pl.kernel,
        out_type=jax.ShapeDtypeStruct((NC, NP, D), jnp.float32),
        mesh=mesh,
        scratch_types=[
            pltpu.VMEM((n_chunks, K), jnp.int32),
            pltpu.VMEM((n_chunks, K), jnp.int32),
            pltpu.VMEM((K, D), jnp.float32),
            pltpu.VMEM_SHARED((NP, D), jnp.float32),
            pltpu.SemaphoreType.DMA,
        ],
    )
    def seg_sum(x_hbm, src_hbm, dst_hbm, zeros_hbm, out_hbm,
                sidx, didx, rows, acc, sem):
        c = lax.axis_index("c")
        s = lax.axis_index("s")
        wid = s * NC + c
        pltpu.sync_copy(zeros_hbm.at[pl.ds(s * init_rows, init_rows)],
                        acc.at[pl.ds(s * init_rows, init_rows)])
        pltpu.sync_copy(src_hbm.at[pl.ds(wid * n_chunks, n_chunks)], sidx)
        pltpu.sync_copy(dst_hbm.at[pl.ds(wid * n_chunks, n_chunks)], didx)
        plsc.subcore_barrier()

        @pl.loop(0, n_chunks)
        def _(j):
            pltpu.async_copy(x_hbm.at[sidx.at[j]], rows, sem).wait()
            pltpu.sync_copy(rows, acc.at[didx.at[j]], add=True)

        plsc.subcore_barrier()
        pltpu.sync_copy(acc.at[pl.ds(s * init_rows, init_rows)],
                        out_hbm.at[c, pl.ds(s * init_rows, init_rows)])

    return seg_sum(x, src2d, dst2d, zeros)


def _mlp_body(final, x_ref, a0_ref, a1_ref, wa_ref, ba_ref, wb_ref, bb_ref,
              o_ref):
    h = x_ref[...] + a0_ref[...] + a1_ref[...]
    t = jnp.dot(h, wa_ref[...], preferred_element_type=jnp.float32)
    t = jnp.maximum(t + ba_ref[...], 0.0)
    z = jnp.dot(t, wb_ref[...], preferred_element_type=jnp.float32)
    z = z + bb_ref[...]
    if final:
        m = jnp.max(z, axis=1, keepdims=True)
        z = z - m
        z = z - jnp.log(jnp.sum(jnp.exp(z), axis=1, keepdims=True))
    else:
        z = jnp.maximum(z, 0.0)
    o_ref[...] = z


def _mlp_tc(x, a0, a1, Wa, ba, Wb, bb, final):
    blk = 1000
    grid = (N_NODES // blk,)
    row_spec = pl.BlockSpec((blk, D), lambda i: (i, 0))
    full_spec = pl.BlockSpec((D, D), lambda i: (0, 0))
    bias_spec = pl.BlockSpec((1, D), lambda i: (0, 0))
    return pl.pallas_call(
        functools.partial(_mlp_body, final),
        grid=grid,
        in_specs=[row_spec, row_spec, row_spec,
                  full_spec, bias_spec, full_spec, bias_spec],
        out_specs=row_spec,
        out_shape=jax.ShapeDtypeStruct((N_NODES, D), jnp.float32),
    )(x, a0, a1, Wa, ba.reshape(1, D), Wb, bb.reshape(1, D))


def kernel(x, edge_index, W1, b1, W2, b2, W3, b3, W4, b4):
    src = edge_index[0].astype(jnp.int32)
    dst = edge_index[1].astype(jnp.int32)
    e = src.shape[0]
    unit = NW * K * 8
    e_pad = ((e + unit - 1) // unit) * unit
    src2d = jnp.pad(src, (0, e_pad - e)).reshape(e_pad // K, K)
    dst2d = jnp.pad(dst, (0, e_pad - e),
                    constant_values=N_NODES).reshape(e_pad // K, K)
    zeros = jnp.zeros((NP, D), jnp.float32)

    p1 = _segment_sum_sc(x, src2d, dst2d, zeros)
    h = _mlp_tc(x, p1[0], p1[1], W1, b1, W2, b2, final=False)
    p2 = _segment_sum_sc(h, src2d, dst2d, zeros)
    return _mlp_tc(h, p2[0], p2[1], W3, b3, W4, b4, final=True)

# --- scband reference (transcript-rebuilt; emitter-appended) ---
"""Pipeline reference for scband-gin-66245575574017 (READ-ONLY COPY).

The authoritative reference and input builder live on the scoring server;
editing this copy changes nothing except your own understanding.
"""

import jax, jax.numpy as jnp
import numpy as np

N_NODES = 10000
N_EDGES = 320000
D_IN = 128
D_HID = 128
D_OUT = 128
EPS = 0.0


def setup_inputs(seed: int = 0) -> dict:
    key = jax.random.key(seed)
    ks = jax.random.split(key, 10)
    x = jax.random.normal(ks[0], (N_NODES, D_IN), dtype=jnp.float32)
    edge_index = jax.random.randint(ks[1], (2, N_EDGES), 0, N_NODES, dtype=jnp.int64)
    s1 = 1.0 / np.sqrt(D_IN)
    s2 = 1.0 / np.sqrt(D_HID)
    W1 = jax.random.normal(ks[2], (D_IN, D_HID), dtype=jnp.float32) * s1
    b1 = jnp.zeros((D_HID,), dtype=jnp.float32)
    W2 = jax.random.normal(ks[3], (D_HID, D_HID), dtype=jnp.float32) * s2
    b2 = jnp.zeros((D_HID,), dtype=jnp.float32)
    W3 = jax.random.normal(ks[4], (D_HID, D_HID), dtype=jnp.float32) * s2
    b3 = jnp.zeros((D_HID,), dtype=jnp.float32)
    W4 = jax.random.normal(ks[5], (D_HID, D_OUT), dtype=jnp.float32) * s2
    b4 = jnp.zeros((D_OUT,), dtype=jnp.float32)
    return {"x": x, "edge_index": edge_index,
            "W1": W1, "b1": b1, "W2": W2, "b2": b2,
            "W3": W3, "b3": b3, "W4": W4, "b4": b4}


def _gin_conv(x, src, dst, W_a, b_a, W_b, b_b):
    # sum-aggregate neighbor (source) features at destination nodes
    msgs = jnp.take(x, src, axis=0)
    agg = jax.ops.segment_sum(msgs, dst, num_segments=N_NODES)
    h = (1.0 + EPS) * x + agg
    h = h @ W_a + b_a
    h = jax.nn.relu(h)
    h = h @ W_b + b_b
    return h


def reference(x, edge_index, W1, b1, W2, b2, W3, b3, W4, b4):
    src = edge_index[0]
    dst = edge_index[1]
    h = _gin_conv(x, src, dst, W1, b1, W2, b2)
    h = jax.nn.relu(h)
    h = _gin_conv(h, src, dst, W3, b3, W4, b4)
    return jax.nn.log_softmax(h, axis=1)

if __name__ == "__main__":
    import jax
    _d = setup_inputs()
    print(jax.jit(kernel)(*tuple(_d.values())))

</pallas_src>

<mosaic_0001>
#map = affine_map<(d0, d1) -> (0, 0)>
#map1 = affine_map<(d0, d1) -> (0, 0, 0)>
module attributes {stable_mosaic.version = 14 : i64} {
  func.func @seg_sum(%arg0: i32, %arg1: i32, %arg2: memref<10000x128xf32, #tpu.memory_space<hbm>>, %arg3: memref<2560x128xi32, #tpu.memory_space<hbm>>, %arg4: memref<2560x128xi32, #tpu.memory_space<hbm>>, %arg5: memref<10112x128xf32, #tpu.memory_space<hbm>>, %arg6: memref<2x10112x128xf32, #tpu.memory_space<hbm>>, %arg7: memref<80x128xi32, #tpu.memory_space<vmem>>, %arg8: memref<80x128xi32, #tpu.memory_space<vmem>>, %arg9: memref<128x128xf32, #tpu.memory_space<vmem>>, %arg10: memref<10112x128xf32, #tpu.memory_space<vmem_shared>>, %arg11: memref<!tpu.dma_semaphore, #tpu.memory_space<semaphore_mem>>) attributes {dimension_semantics = [#tpu.dimension_semantics<core_parallel>, #tpu.dimension_semantics<subcore_parallel>], iteration_bounds = array<i64: 2, 16>, scalar_prefetch = 0 : i64, scratch_operands = 5 : i64, tpu.core_type = #tpu.core_type<sc_vector_subcore>, window_params = [{transform_indices = #map}, {transform_indices = #map}, {transform_indices = #map}, {transform_indices = #map}, {transform_indices = #map1}]} {
    %mul3A = arith.constant 2 : i32
    %mul3A_0 = arith.muli %arg1, %mul3A : i32
    %add3A = arith.addi %mul3A_0, %arg0 : i32
    %mul3A_1 = arith.constant 632 : i32
    %mul3A_2 = arith.muli %arg1, %mul3A_1 : i32
    %mul3A_3 = arith.constant 632 : i32
    %mul3A_4 = arith.muli %arg1, %mul3A_3 : i32
    "tpu.region"() ({
      %run_scoped3A = tpu.sem_alloc : memref<!tpu.dma_semaphore, #tpu.memory_space<semaphore_mem>>
      %dma_start3A = arith.constant 0 : i32
      %dma_start3A_18 = tpu.memref_slice %arg10[%mul3A_4, %dma_start3A] : memref<10112x128xf32, #tpu.memory_space<vmem_shared>> -> memref<632x128xf32, #tpu.memory_space<vmem_shared>>
      %dma_start3A_19 = arith.constant 0 : i32
      %dma_start3A_20 = tpu.memref_slice %arg5[%mul3A_2, %dma_start3A_19] : memref<10112x128xf32, #tpu.memory_space<hbm>> -> memref<632x128xf32, #tpu.memory_space<hbm>>
      tpu.enqueue_dma source(%dma_start3A_20 : memref<632x128xf32, #tpu.memory_space<hbm>>) target(%dma_start3A_18 : memref<632x128xf32, #tpu.memory_space<vmem_shared>>) target_semaphore(%run_scoped3A : memref<!tpu.dma_semaphore, #tpu.memory_space<semaphore_mem>>)
      %dma_wait3A = arith.constant 0 : i32
      %dma_wait3A_21 = tpu.memref_slice %arg10[%mul3A_4, %dma_wait3A] : memref<10112x128xf32, #tpu.memory_space<vmem_shared>> -> memref<632x128xf32, #tpu.memory_space<vmem_shared>>
      %dma_wait3A_22 = arith.constant 0 : i32
      %dma_wait3A_23 = tpu.memref_slice %arg5[%mul3A_2, %dma_wait3A_22] : memref<10112x128xf32, #tpu.memory_space<hbm>> -> memref<632x128xf32, #tpu.memory_space<hbm>>
      tpu.wait_dma2 semaphore(%run_scoped3A : memref<!tpu.dma_semaphore, #tpu.memory_space<semaphore_mem>>) src(%dma_wait3A_23 : memref<632x128xf32, #tpu.memory_space<hbm>>) dst(%dma_wait3A_21 : memref<632x128xf32, #tpu.memory_space<vmem_shared>>)
      tpu.yield
    }) : () -> ()
    %mul3A_5 = arith.constant 80 : i32
    %mul3A_6 = arith.muli %add3A, %mul3A_5 : i32
    "tpu.region"() ({
      %run_scoped3A = tpu.sem_alloc : memref<!tpu.dma_semaphore, #tpu.memory_space<semaphore_mem>>
      %dma_start3A = arith.constant 0 : i32
      %dma_start3A_18 = tpu.memref_slice %arg3[%mul3A_6, %dma_start3A] : memref<2560x128xi32, #tpu.memory_space<hbm>> -> memref<80x128xi32, #tpu.memory_space<hbm>>
      %dma_start3A_19 = arith.constant 0 : i32
      %dma_start3A_20 = tpu.memref_slice %arg3[%mul3A_6, %dma_start3A_19] : memref<2560x128xi32, #tpu.memory_space<hbm>> -> memref<80x128xi32, #tpu.memory_space<hbm>>
      tpu.enqueue_dma source(%dma_start3A_20 : memref<80x128xi32, #tpu.memory_space<hbm>>) target(%arg7 : memref<80x128xi32, #tpu.memory_space<vmem>>) target_semaphore(%run_scoped3A : memref<!tpu.dma_semaphore, #tpu.memory_space<semaphore_mem>>)
      %dma_wait3A = arith.constant 0 : i32
      %dma_wait3A_21 = tpu.memref_slice %arg3[%mul3A_6, %dma_wait3A] : memref<2560x128xi32, #tpu.memory_space<hbm>> -> memref<80x128xi32, #tpu.memory_space<hbm>>
      %dma_wait3A_22 = arith.constant 0 : i32
      %dma_wait3A_23 = tpu.memref_slice %arg3[%mul3A_6, %dma_wait3A_22] : memref<2560x128xi32, #tpu.memory_space<hbm>> -> memref<80x128xi32, #tpu.memory_space<hbm>>
      tpu.wait_dma2 semaphore(%run_scoped3A : memref<!tpu.dma_semaphore, #tpu.memory_space<semaphore_mem>>) src(%dma_wait3A_23 : memref<80x128xi32, #tpu.memory_space<hbm>>) dst(%arg7 : memref<80x128xi32, #tpu.memory_space<vmem>>)
      tpu.yield
    }) : () -> ()
    %mul3A_7 = arith.constant 80 : i32
    %mul3A_8 = arith.muli %add3A, %mul3A_7 : i32
    "tpu.region"() ({
      %run_scoped3A = tpu.sem_alloc : memref<!tpu.dma_semaphore, #tpu.memory_space<semaphore_mem>>
      %dma_start3A = arith.constant 0 : i32
      %dma_start3A_18 = tpu.memref_slice %arg4[%mul3A_8, %dma_start3A] : memref<2560x128xi32, #tpu.memory_space<hbm>> -> memref<80x128xi32, #tpu.memory_space<hbm>>
      %dma_start3A_19 = arith.constant 0 : i32
      %dma_start3A_20 = tpu.memref_slice %arg4[%mul3A_8, %dma_start3A_19] : memref<2560x128xi32, #tpu.memory_space<hbm>> -> memref<80x128xi32, #tpu.memory_space<hbm>>
      tpu.enqueue_dma source(%dma_start3A_20 : memref<80x128xi32, #tpu.memory_space<hbm>>) target(%arg8 : memref<80x128xi32, #tpu.memory_space<vmem>>) target_semaphore(%run_scoped3A : memref<!tpu.dma_semaphore, #tpu.memory_space<semaphore_mem>>)
      %dma_wait3A = arith.constant 0 : i32
      %dma_wait3A_21 = tpu.memref_slice %arg4[%mul3A_8, %dma_wait3A] : memref<2560x128xi32, #tpu.memory_space<hbm>> -> memref<80x128xi32, #tpu.memory_space<hbm>>
      %dma_wait3A_22 = arith.constant 0 : i32
      %dma_wait3A_23 = tpu.memref_slice %arg4[%mul3A_8, %dma_wait3A_22] : memref<2560x128xi32, #tpu.memory_space<hbm>> -> memref<80x128xi32, #tpu.memory_space<hbm>>
      tpu.wait_dma2 semaphore(%run_scoped3A : memref<!tpu.dma_semaphore, #tpu.memory_space<semaphore_mem>>) src(%dma_wait3A_23 : memref<80x128xi32, #tpu.memory_space<hbm>>) dst(%arg8 : memref<80x128xi32, #tpu.memory_space<vmem>>)
      tpu.yield
    }) : () -> ()
    %barrier3A = arith.constant 0 : index
    tpu.barrier barrier_id(%barrier3A)
    %scan3A = arith.constant 0 : i32
    %scan3A_9 = arith.constant 80 : i32
    %scan3A_10 = arith.addi %scan3A, %scan3A_9 : i32
    %scan3A_11 = arith.constant 1 : i32
    scf.for %scan3A_18 = %scan3A to %scan3A_10 step %scan3A_11  : i32 {
      %mul3A_19 = arith.constant 1 : i32
      %mul3A_20 = arith.muli %scan3A_18, %mul3A_19 : i32
      %add3A_21 = arith.constant 0 : i32
      %add3A_22 = arith.addi %add3A_21, %mul3A_20 : i32
      %dma_start3A = arith.constant 0 : i32
      %dma_start3A_23 = tpu.memref_slice %arg7[%add3A_22, %dma_start3A] : memref<80x128xi32, #tpu.memory_space<vmem>> -> memref<1x128xi32, #tpu.memory_space<vmem>>
      %dma_start3A_24 = tpu.memref_squeeze %dma_start3A_23 : memref<1x128xi32, #tpu.memory_space<vmem>> -> memref<128xi32, #tpu.memory_space<vmem>>
      %dma_start3A_25 = arith.constant 0 : i32
      %dma_start3A_26 = arith.constant 0 : i32
      %dma_start3A_27 = tpu.memref_slice %arg2[%dma_start3A_25, %dma_start3A_26] : memref<10000x128xf32, #tpu.memory_space<hbm>> -> memref<10000x128xf32, #tpu.memory_space<hbm>>
      tpu.enqueue_indirect_dma source(%dma_start3A_27 : memref<10000x128xf32, #tpu.memory_space<hbm>>) target(%arg9 : memref<128x128xf32, #tpu.memory_space<vmem>>) offsets(%dma_start3A_24 : memref<128xi32, #tpu.memory_space<vmem>>) semaphore(%arg11 : memref<!tpu.dma_semaphore, #tpu.memory_space<semaphore_mem>>)
      %dma_wait3A = arith.constant 0 : i32
      %dma_wait3A_28 = tpu.memref_slice %arg7[%add3A_22, %dma_wait3A] : memref<80x128xi32, #tpu.memory_space<vmem>> -> memref<1x128xi32, #tpu.memory_space<vmem>>
      %dma_wait3A_29 = tpu.memref_squeeze %dma_wait3A_28 : memref<1x128xi32, #tpu.memory_space<vmem>> -> memref<128xi32, #tpu.memory_space<vmem>>
      %dma_wait3A_30 = arith.constant 0 : i32
      %dma_wait3A_31 = arith.constant 0 : i32
      %dma_wait3A_32 = tpu.memref_slice %arg2[%dma_wait3A_30, %dma_wait3A_31] : memref<10000x128xf32, #tpu.memory_space<hbm>> -> memref<10000x128xf32, #tpu.memory_space<hbm>>
      tpu.wait_indirect_dma semaphore(%arg11 : memref<!tpu.dma_semaphore, #tpu.memory_space<semaphore_mem>>) src(%dma_wait3A_32 : memref<10000x128xf32, #tpu.memory_space<hbm>>) dst(%arg9 : memref<128x128xf32, #tpu.memory_space<vmem>>)
      "tpu.region"() ({
        %run_scoped3A = tpu.sem_alloc : memref<!tpu.dma_semaphore, #tpu.memory_space<semaphore_mem>>
        %dma_start3A_33 = arith.constant 0 : i32
        %dma_start3A_34 = tpu.memref_slice %arg8[%add3A_22, %dma_start3A_33] : memref<80x128xi32, #tpu.memory_space<vmem>> -> memref<1x128xi32, #tpu.memory_space<vmem>>
        %dma_start3A_35 = tpu.memref_squeeze %dma_start3A_34 : memref<1x128xi32, #tpu.memory_space<vmem>> -> memref<128xi32, #tpu.memory_space<vmem>>
        %dma_start3A_36 = arith.constant 0 : i32
        %dma_start3A_37 = arith.constant 0 : i32
        %dma_start3A_38 = tpu.memref_slice %arg10[%dma_start3A_36, %dma_start3A_37] : memref<10112x128xf32, #tpu.memory_space<vmem_shared>> -> memref<10112x128xf32, #tpu.memory_space<vmem_shared>>
        tpu.enqueue_indirect_dma source(%arg9 : memref<128x128xf32, #tpu.memory_space<vmem>>) target(%dma_start3A_38 : memref<10112x128xf32, #tpu.memory_space<vmem_shared>>) offsets(%dma_start3A_35 : memref<128xi32, #tpu.memory_space<vmem>>) semaphore(%run_scoped3A : memref<!tpu.dma_semaphore, #tpu.memory_space<semaphore_mem>>) {add = true}
        %dma_wait3A_39 = arith.constant 0 : i32
        %dma_wait3A_40 = tpu.memref_slice %arg8[%add3A_22, %dma_wait3A_39] : memref<80x128xi32, #tpu.memory_space<vmem>> -> memref<1x128xi32, #tpu.memory_space<vmem>>
        %dma_wait3A_41 = tpu.memref_squeeze %dma_wait3A_40 : memref<1x128xi32, #tpu.memory_space<vmem>> -> memref<128xi32, #tpu.memory_space<vmem>>
        %dma_wait3A_42 = arith.constant 0 : i32
        %dma_wait3A_43 = arith.constant 0 : i32
        %dma_wait3A_44 = tpu.memref_slice %arg10[%dma_wait3A_42, %dma_wait3A_43] : memref<10112x128xf32, #tpu.memory_space<vmem_shared>> -> memref<10112x128xf32, #tpu.memory_space<vmem_shared>>
        tpu.wait_indirect_dma semaphore(%run_scoped3A : memref<!tpu.dma_semaphore, #tpu.memory_space<semaphore_mem>>) src(%arg9 : memref<128x128xf32, #tpu.memory_space<vmem>>) dst(%dma_wait3A_44 : memref<10112x128xf32, #tpu.memory_space<vmem_shared>>)
        tpu.yield
      }) : () -> ()
    }
    %scan3A_12 = arith.constant 80 : i32
    %barrier3A_13 = arith.constant 0 : index
    tpu.barrier barrier_id(%barrier3A_13)
    %mul3A_14 = arith.constant 632 : i32
    %mul3A_15 = arith.muli %arg1, %mul3A_14 : i32
    %mul3A_16 = arith.constant 632 : i32
    %mul3A_17 = arith.muli %arg1, %mul3A_16 : i32
    "tpu.region"() ({
      %run_scoped3A = tpu.sem_alloc : memref<!tpu.dma_semaphore, #tpu.memory_space<semaphore_mem>>
      %dma_start3A = arith.constant 0 : i32
      %dma_start3A_18 = tpu.memref_slice %arg6[%arg0, %mul3A_17, %dma_start3A] : memref<2x10112x128xf32, #tpu.memory_space<hbm>> -> memref<1x632x128xf32, #tpu.memory_space<hbm>>
      %dma_start3A_19 = tpu.memref_squeeze %dma_start3A_18 : memref<1x632x128xf32, #tpu.memory_space<hbm>> -> memref<632x128xf32, #tpu.memory_space<hbm>>
      %dma_start3A_20 = arith.constant 0 : i32
      %dma_start3A_21 = tpu.memref_slice %arg10[%mul3A_15, %dma_start3A_20] : memref<10112x128xf32, #tpu.memory_space<vmem_shared>> -> memref<632x128xf32, #tpu.memory_space<vmem_shared>>
      tpu.enqueue_dma source(%dma_start3A_21 : memref<632x128xf32, #tpu.memory_space<vmem_shared>>) target(%dma_start3A_19 : memref<632x128xf32, #tpu.memory_space<hbm>>) target_semaphore(%run_scoped3A : memref<!tpu.dma_semaphore, #tpu.memory_space<semaphore_mem>>)
      %dma_wait3A = arith.constant 0 : i32
      %dma_wait3A_22 = tpu.memref_slice %arg6[%arg0, %mul3A_17, %dma_wait3A] : memref<2x10112x128xf32, #tpu.memory_space<hbm>> -> memref<1x632x128xf32, #tpu.memory_space<hbm>>
      %dma_wait3A_23 = tpu.memref_squeeze %dma_wait3A_22 : memref<1x632x128xf32, #tpu.memory_space<hbm>> -> memref<632x128xf32, #tpu.memory_space<hbm>>
      %dma_wait3A_24 = arith.constant 0 : i32
      %dma_wait3A_25 = tpu.memref_slice %arg10[%mul3A_15, %dma_wait3A_24] : memref<10112x128xf32, #tpu.memory_space<vmem_shared>> -> memref<632x128xf32, #tpu.memory_space<vmem_shared>>
      tpu.wait_dma2 semaphore(%run_scoped3A : memref<!tpu.dma_semaphore, #tpu.memory_space<semaphore_mem>>) src(%dma_wait3A_25 : memref<632x128xf32, #tpu.memory_space<vmem_shared>>) dst(%dma_wait3A_23 : memref<632x128xf32, #tpu.memory_space<hbm>>)
      tpu.yield
    }) : () -> ()
    return
  }
}

#map = affine_map<(d0, d1) -> (0, 0)>
#map1 = affine_map<(d0, d1) -> (0, 0, 0)>
module attributes {stable_mosaic.version = 14 : i64} {
  func.func @seg_sum(%arg0: i32, %arg1: i32, %arg2: memref<10000x128xf32, #tpu.memory_space<hbm>>, %arg3: memref<2560x128xi32, #tpu.memory_space<hbm>>, %arg4: memref<2560x128xi32, #tpu.memory_space<hbm>>, %arg5: memref<10112x128xf32, #tpu.memory_space<hbm>>, %arg6: memref<2x10112x128xf32, #tpu.memory_space<hbm>>, %arg7: memref<80x128xi32, #tpu.memory_space<vmem>>, %arg8: memref<80x128xi32, #tpu.memory_space<vmem>>, %arg9: memref<128x128xf32, #tpu.memory_space<vmem>>, %arg10: memref<10112x128xf32, #tpu.memory_space<vmem_shared>>, %arg11: memref<!tpu.dma_semaphore, #tpu.memory_space<semaphore_mem>>) attributes {dimension_semantics = [#tpu.dimension_semantics<core_parallel>, #tpu.dimension_semantics<subcore_parallel>], iteration_bounds = array<i64: 2, 16>, scalar_prefetch = 0 : i64, scratch_operands = 5 : i64, tpu.core_type = #tpu.core_type<sc_vector_subcore>, window_params = [{transform_indices = #map}, {transform_indices = #map}, {transform_indices = #map}, {transform_indices = #map}, {transform_indices = #map1}]} {
    %mul3A = arith.constant 2 : i32
    %mul3A_0 = arith.muli %arg1, %mul3A : i32
    %add3A = arith.addi %mul3A_0, %arg0 : i32
    %mul3A_1 = arith.constant 632 : i32
    %mul3A_2 = arith.muli %arg1, %mul3A_1 : i32
    %mul3A_3 = arith.constant 632 : i32
    %mul3A_4 = arith.muli %arg1, %mul3A_3 : i32
    "tpu.region"() ({
      %run_scoped3A = tpu.sem_alloc : memref<!tpu.dma_semaphore, #tpu.memory_space<semaphore_mem>>
      %dma_start3A = arith.constant 0 : i32
      %dma_start3A_18 = tpu.memref_slice %arg10[%mul3A_4, %dma_start3A] : memref<10112x128xf32, #tpu.memory_space<vmem_shared>> -> memref<632x128xf32, #tpu.memory_space<vmem_shared>>
      %dma_start3A_19 = arith.constant 0 : i32
      %dma_start3A_20 = tpu.memref_slice %arg5[%mul3A_2, %dma_start3A_19] : memref<10112x128xf32, #tpu.memory_space<hbm>> -> memref<632x128xf32, #tpu.memory_space<hbm>>
      tpu.enqueue_dma source(%dma_start3A_20 : memref<632x128xf32, #tpu.memory_space<hbm>>) target(%dma_start3A_18 : memref<632x128xf32, #tpu.memory_space<vmem_shared>>) target_semaphore(%run_scoped3A : memref<!tpu.dma_semaphore, #tpu.memory_space<semaphore_mem>>)
      %dma_wait3A = arith.constant 0 : i32
      %dma_wait3A_21 = tpu.memref_slice %arg10[%mul3A_4, %dma_wait3A] : memref<10112x128xf32, #tpu.memory_space<vmem_shared>> -> memref<632x128xf32, #tpu.memory_space<vmem_shared>>
      %dma_wait3A_22 = arith.constant 0 : i32
      %dma_wait3A_23 = tpu.memref_slice %arg5[%mul3A_2, %dma_wait3A_22] : memref<10112x128xf32, #tpu.memory_space<hbm>> -> memref<632x128xf32, #tpu.memory_space<hbm>>
      tpu.wait_dma2 semaphore(%run_scoped3A : memref<!tpu.dma_semaphore, #tpu.memory_space<semaphore_mem>>) src(%dma_wait3A_23 : memref<632x128xf32, #tpu.memory_space<hbm>>) dst(%dma_wait3A_21 : memref<632x128xf32, #tpu.memory_space<vmem_shared>>)
      tpu.yield
    }) : () -> ()
    %mul3A_5 = arith.constant 80 : i32
    %mul3A_6 = arith.muli %add3A, %mul3A_5 : i32
    "tpu.region"() ({
      %run_scoped3A = tpu.sem_alloc : memref<!tpu.dma_semaphore, #tpu.memory_space<semaphore_mem>>
      %dma_start3A = arith.constant 0 : i32
      %dma_start3A_18 = tpu.memref_slice %arg3[%mul3A_6, %dma_start3A] : memref<2560x128xi32, #tpu.memory_space<hbm>> -> memref<80x128xi32, #tpu.memory_space<hbm>>
      %dma_start3A_19 = arith.constant 0 : i32
      %dma_start3A_20 = tpu.memref_slice %arg3[%mul3A_6, %dma_start3A_19] : memref<2560x128xi32, #tpu.memory_space<hbm>> -> memref<80x128xi32, #tpu.memory_space<hbm>>
      tpu.enqueue_dma source(%dma_start3A_20 : memref<80x128xi32, #tpu.memory_space<hbm>>) target(%arg7 : memref<80x128xi32, #tpu.memory_space<vmem>>) target_semaphore(%run_scoped3A : memref<!tpu.dma_semaphore, #tpu.memory_space<semaphore_mem>>)
      %dma_wait3A = arith.constant 0 : i32
      %dma_wait3A_21 = tpu.memref_slice %arg3[%mul3A_6, %dma_wait3A] : memref<2560x128xi32, #tpu.memory_space<hbm>> -> memref<80x128xi32, #tpu.memory_space<hbm>>
      %dma_wait3A_22 = arith.constant 0 : i32
      %dma_wait3A_23 = tpu.memref_slice %arg3[%mul3A_6, %dma_wait3A_22] : memref<2560x128xi32, #tpu.memory_space<hbm>> -> memref<80x128xi32, #tpu.memory_space<hbm>>
      tpu.wait_dma2 semaphore(%run_scoped3A : memref<!tpu.dma_semaphore, #tpu.memory_space<semaphore_mem>>) src(%dma_wait3A_23 : memref<80x128xi32, #tpu.memory_space<hbm>>) dst(%arg7 : memref<80x128xi32, #tpu.memory_space<vmem>>)
      tpu.yield
    }) : () -> ()
    %mul3A_7 = arith.constant 80 : i32
    %mul3A_8 = arith.muli %add3A, %mul3A_7 : i32
    "tpu.region"() ({
      %run_scoped3A = tpu.sem_alloc : memref<!tpu.dma_semaphore, #tpu.memory_space<semaphore_mem>>
      %dma_start3A = arith.constant 0 : i32
      %dma_start3A_18 = tpu.memref_slice %arg4[%mul3A_8, %dma_start3A] : memref<2560x128xi32, #tpu.memory_space<hbm>> -> memref<80x128xi32, #tpu.memory_space<hbm>>
      %dma_start3A_19 = arith.constant 0 : i32
      %dma_start3A_20 = tpu.memref_slice %arg4[%mul3A_8, %dma_start3A_19] : memref<2560x128xi32, #tpu.memory_space<hbm>> -> memref<80x128xi32, #tpu.memory_space<hbm>>
      tpu.enqueue_dma source(%dma_start3A_20 : memref<80x128xi32, #tpu.memory_space<hbm>>) target(%arg8 : memref<80x128xi32, #tpu.memory_space<vmem>>) target_semaphore(%run_scoped3A : memref<!tpu.dma_semaphore, #tpu.memory_space<semaphore_mem>>)
      %dma_wait3A = arith.constant 0 : i32
      %dma_wait3A_21 = tpu.memref_slice %arg4[%mul3A_8, %dma_wait3A] : memref<2560x128xi32, #tpu.memory_space<hbm>> -> memref<80x128xi32, #tpu.memory_space<hbm>>
      %dma_wait3A_22 = arith.constant 0 : i32
      %dma_wait3A_23 = tpu.memref_slice %arg4[%mul3A_8, %dma_wait3A_22] : memref<2560x128xi32, #tpu.memory_space<hbm>> -> memref<80x128xi32, #tpu.memory_space<hbm>>
      tpu.wait_dma2 semaphore(%run_scoped3A : memref<!tpu.dma_semaphore, #tpu.memory_space<semaphore_mem>>) src(%dma_wait3A_23 : memref<80x128xi32, #tpu.memory_space<hbm>>) dst(%arg8 : memref<80x128xi32, #tpu.memory_space<vmem>>)
      tpu.yield
    }) : () -> ()
    %barrier3A = arith.constant 0 : index
    tpu.barrier barrier_id(%barrier3A)
    %scan3A = arith.constant 0 : i32
    %scan3A_9 = arith.constant 80 : i32
    %scan3A_10 = arith.addi %scan3A, %scan3A_9 : i32
    %scan3A_11 = arith.constant 1 : i32
    scf.for %scan3A_18 = %scan3A to %scan3A_10 step %scan3A_11  : i32 {
      %mul3A_19 = arith.constant 1 : i32
      %mul3A_20 = arith.muli %scan3A_18, %mul3A_19 : i32
      %add3A_21 = arith.constant 0 : i32
      %add3A_22 = arith.addi %add3A_21, %mul3A_20 : i32
      %dma_start3A = arith.constant 0 : i32
      %dma_start3A_23 = tpu.memref_slice %arg7[%add3A_22, %dma_start3A] : memref<80x128xi32, #tpu.memory_space<vmem>> -> memref<1x128xi32, #tpu.memory_space<vmem>>
      %dma_start3A_24 = tpu.memref_squeeze %dma_start3A_23 : memref<1x128xi32, #tpu.memory_space<vmem>> -> memref<128xi32, #tpu.memory_space<vmem>>
      %dma_start3A_25 = arith.constant 0 : i32
      %dma_start3A_26 = arith.constant 0 : i32
      %dma_start3A_27 = tpu.memref_slice %arg2[%dma_start3A_25, %dma_start3A_26] : memref<10000x128xf32, #tpu.memory_space<hbm>> -> memref<10000x128xf32, #tpu.memory_space<hbm>>
      tpu.enqueue_indirect_dma source(%dma_start3A_27 : memref<10000x128xf32, #tpu.memory_space<hbm>>) target(%arg9 : memref<128x128xf32, #tpu.memory_space<vmem>>) offsets(%dma_start3A_24 : memref<128xi32, #tpu.memory_space<vmem>>) semaphore(%arg11 : memref<!tpu.dma_semaphore, #tpu.memory_space<semaphore_mem>>)
      %dma_wait3A = arith.constant 0 : i32
      %dma_wait3A_28 = tpu.memref_slice %arg7[%add3A_22, %dma_wait3A] : memref<80x128xi32, #tpu.memory_space<vmem>> -> memref<1x128xi32, #tpu.memory_space<vmem>>
      %dma_wait3A_29 = tpu.memref_squeeze %dma_wait3A_28 : memref<1x128xi32, #tpu.memory_space<vmem>> -> memref<128xi32, #tpu.memory_space<vmem>>
      %dma_wait3A_30 = arith.constant 0 : i32
      %dma_wait3A_31 = arith.constant 0 : i32
      %dma_wait3A_32 = tpu.memref_slice %arg2[%dma_wait3A_30, %dma_wait3A_31] : memref<10000x128xf32, #tpu.memory_space<hbm>> -> memref<10000x128xf32, #tpu.memory_space<hbm>>
      tpu.wait_indirect_dma semaphore(%arg11 : memref<!tpu.dma_semaphore, #tpu.memory_space<semaphore_mem>>) src(%dma_wait3A_32 : memref<10000x128xf32, #tpu.memory_space<hbm>>) dst(%arg9 : memref<128x128xf32, #tpu.memory_space<vmem>>)
      "tpu.region"() ({
        %run_scoped3A = tpu.sem_alloc : memref<!tpu.dma_semaphore, #tpu.memory_space<semaphore_mem>>
        %dma_start3A_33 = arith.constant 0 : i32
        %dma_start3A_34 = tpu.memref_slice %arg8[%add3A_22, %dma_start3A_33] : memref<80x128xi32, #tpu.memory_space<vmem>> -> memref<1x128xi32, #tpu.memory_space<vmem>>
        %dma_start3A_35 = tpu.memref_squeeze %dma_start3A_34 : memref<1x128xi32, #tpu.memory_space<vmem>> -> memref<128xi32, #tpu.memory_space<vmem>>
        %dma_start3A_36 = arith.constant 0 : i32
        %dma_start3A_37 = arith.constant 0 : i32
        %dma_start3A_38 = tpu.memref_slice %arg10[%dma_start3A_36, %dma_start3A_37] : memref<10112x128xf32, #tpu.memory_space<vmem_shared>> -> memref<10112x128xf32, #tpu.memory_space<vmem_shared>>
        tpu.enqueue_indirect_dma source(%arg9 : memref<128x128xf32, #tpu.memory_space<vmem>>) target(%dma_start3A_38 : memref<10112x128xf32, #tpu.memory_space<vmem_shared>>) offsets(%dma_start3A_35 : memref<128xi32, #tpu.memory_space<vmem>>) semaphore(%run_scoped3A : memref<!tpu.dma_semaphore, #tpu.memory_space<semaphore_mem>>) {add = true}
        %dma_wait3A_39 = arith.constant 0 : i32
        %dma_wait3A_40 = tpu.memref_slice %arg8[%add3A_22, %dma_wait3A_39] : memref<80x128xi32, #tpu.memory_space<vmem>> -> memref<1x128xi32, #tpu.memory_space<vmem>>
        %dma_wait3A_41 = tpu.memref_squeeze %dma_wait3A_40 : memref<1x128xi32, #tpu.memory_space<vmem>> -> memref<128xi32, #tpu.memory_space<vmem>>
        %dma_wait3A_42 = arith.constant 0 : i32
        %dma_wait3A_43 = arith.constant 0 : i32
        %dma_wait3A_44 = tpu.memref_slice %arg10[%dma_wait3A_42, %dma_wait3A_43] : memref<10112x128xf32, #tpu.memory_space<vmem_shared>> -> memref<10112x128xf32, #tpu.memory_space<vmem_shared>>
        tpu.wait_indirect_dma semaphore(%run_scoped3A : memref<!tpu.dma_semaphore, #tpu.memory_space<semaphore_mem>>) src(%arg9 : memref<128x128xf32, #tpu.memory_space<vmem>>) dst(%dma_wait3A_44 : memref<10112x128xf32, #tpu.memory_space<vmem_shared>>)
        tpu.yield
      }) : () -> ()
    }
    %scan3A_12 = arith.constant 80 : i32
    %barrier3A_13 = arith.constant 0 : index
    tpu.barrier barrier_id(%barrier3A_13)
    %mul3A_14 = arith.constant 632 : i32
    %mul3A_15 = arith.muli %arg1, %mul3A_14 : i32
    %mul3A_16 = arith.constant 632 : i32
    %mul3A_17 = arith.muli %arg1, %mul3A_16 : i32
    "tpu.region"() ({
      %run_scoped3A = tpu.sem_alloc : memref<!tpu.dma_semaphore, #tpu.memory_space<semaphore_mem>>
      %dma_start3A = arith.constant 0 : i32
      %dma_start3A_18 = tpu.memref_slice %arg6[%arg0, %mul3A_17, %dma_start3A] : memref<2x10112x128xf32, #tpu.memory_space<hbm>> -> memref<1x632x128xf32, #tpu.memory_space<hbm>>
      %dma_start3A_19 = tpu.memref_squeeze %dma_start3A_18 : memref<1x632x128xf32, #tpu.memory_space<hbm>> -> memref<632x128xf32, #tpu.memory_space<hbm>>
      %dma_start3A_20 = arith.constant 0 : i32
      %dma_start3A_21 = tpu.memref_slice %arg10[%mul3A_15, %dma_start3A_20] : memref<10112x128xf32, #tpu.memory_space<vmem_shared>> -> memref<632x128xf32, #tpu.memory_space<vmem_shared>>
      tpu.enqueue_dma source(%dma_start3A_21 : memref<632x128xf32, #tpu.memory_space<vmem_shared>>) target(%dma_start3A_19 : memref<632x128xf32, #tpu.memory_space<hbm>>) target_semaphore(%run_scoped3A : memref<!tpu.dma_semaphore, #tpu.memory_space<semaphore_mem>>)
      %dma_wait3A = arith.constant 0 : i32
      %dma_wait3A_22 = tpu.memref_slice %arg6[%arg0, %mul3A_17, %dma_wait3A] : memref<2x10112x128xf32, #tpu.memory_space<hbm>> -> memref<1x632x128xf32, #tpu.memory_space<hbm>>
      %dma_wait3A_23 = tpu.memref_squeeze %dma_wait3A_22 : memref<1x632x128xf32, #tpu.memory_space<hbm>> -> memref<632x128xf32, #tpu.memory_space<hbm>>
      %dma_wait3A_24 = arith.constant 0 : i32
      %dma_wait3A_25 = tpu.memref_slice %arg10[%mul3A_15, %dma_wait3A_24] : memref<10112x128xf32, #tpu.memory_space<vmem_shared>> -> memref<632x128xf32, #tpu.memory_space<vmem_shared>>
      tpu.wait_dma2 semaphore(%run_scoped3A : memref<!tpu.dma_semaphore, #tpu.memory_space<semaphore_mem>>) src(%dma_wait3A_25 : memref<632x128xf32, #tpu.memory_space<vmem_shared>>) dst(%dma_wait3A_23 : memref<632x128xf32, #tpu.memory_space<hbm>>)
      tpu.yield
    }) : () -> ()
    return
  }
}

module attributes {stable_mosaic.version = 14 : i64} {
  func.func @_mlp_body(%arg0: i32, %arg1: memref<1000x128xf32, #tpu.memory_space<vmem>>, %arg2: memref<1000x128xf32, #tpu.memory_space<vmem>>, %arg3: memref<1000x128xf32, #tpu.memory_space<vmem>>, %arg4: memref<128x128xf32, #tpu.memory_space<vmem>>, %arg5: memref<1x128xf32, #tpu.memory_space<vmem>>, %arg6: memref<128x128xf32, #tpu.memory_space<vmem>>, %arg7: memref<1x128xf32, #tpu.memory_space<vmem>>, %arg8: memref<1000x128xf32, #tpu.memory_space<vmem>>) attributes {dimension_semantics = [#tpu.dimension_semantics<arbitrary>], iteration_bounds = array<i64: 10>, scalar_prefetch = 0 : i64, scratch_operands = 0 : i64, tpu.core_type = #tpu.core_type<tc>, window_params = [{transform_indices = @transform_0, window_bounds = array<i64: 1000, 128>}, {transform_indices = @transform_1, window_bounds = array<i64: 1000, 128>}, {transform_indices = @transform_2, window_bounds = array<i64: 1000, 128>}, {pipeline_mode = #tpu.pipeline_mode<synchronous>, transform_indices = @transform_3, window_bounds = array<i64: 128, 128>}, {pipeline_mode = #tpu.pipeline_mode<synchronous>, transform_indices = @transform_4, window_bounds = array<i64: 1, 128>}, {pipeline_mode = #tpu.pipeline_mode<synchronous>, transform_indices = @transform_5, window_bounds = array<i64: 128, 128>}, {pipeline_mode = #tpu.pipeline_mode<synchronous>, transform_indices = @transform_6, window_bounds = array<i64: 1, 128>}, {transform_indices = @transform_7, window_bounds = array<i64: 1000, 128>}]} {
    %get3A = arith.constant 0 : index
    %get3A_0 = arith.constant 0 : index
    %get3A_1 = vector.load %arg1[%get3A, %get3A_0] : memref<1000x128xf32, #tpu.memory_space<vmem>>, vector<1000x128xf32>
    %get3A_2 = arith.constant 0 : index
    %get3A_3 = arith.constant 0 : index
    %get3A_4 = vector.load %arg2[%get3A_2, %get3A_3] : memref<1000x128xf32, #tpu.memory_space<vmem>>, vector<1000x128xf32>
    %add3A = arith.addf %get3A_1, %get3A_4 : vector<1000x128xf32>
    %get3A_5 = arith.constant 0 : index
    %get3A_6 = arith.constant 0 : index
    %get3A_7 = vector.load %arg3[%get3A_5, %get3A_6] : memref<1000x128xf32, #tpu.memory_space<vmem>>, vector<1000x128xf32>
    %add3A_8 = arith.addf %add3A, %get3A_7 : vector<1000x128xf32>
    %get3A_9 = arith.constant 0 : index
    %get3A_10 = arith.constant 0 : index
    %get3A_11 = vector.load %arg4[%get3A_9, %get3A_10] : memref<128x128xf32, #tpu.memory_space<vmem>>, vector<128x128xf32>
    %dot_general3A = arith.constant dense<0.000000e+00> : vector<1000x128xf32>
    %dot_general3A_12 = tpu.matmul %add3A_8, %get3A_11, %dot_general3A {dimension_numbers = #tpu.dot_dimension_numbers<[1], [0], [0], [1], [0, 0, 1, 1], [], []>, transpose_lhs_hint = false} : vector<1000x128xf32>, vector<128x128xf32>, vector<1000x128xf32> -> vector<1000x128xf32>
    %get3A_13 = arith.constant 0 : index
    %get3A_14 = arith.constant 0 : index
    %get3A_15 = vector.load %arg5[%get3A_13, %get3A_14] : memref<1x128xf32, #tpu.memory_space<vmem>>, vector<1x128xf32>
    %add3A_16 = vector.broadcast %get3A_15 : vector<1x128xf32> to vector<1000x128xf32>
    %add3A_17 = arith.addf %dot_general3A_12, %add3A_16 : vector<1000x128xf32>
    %max3A = arith.constant 0.000000e+00 : f32
    %max3A_18 = vector.broadcast %max3A : f32 to vector<1000x128xf32>
    %max3A_19 = arith.maximumf %add3A_17, %max3A_18 : vector<1000x128xf32>
    %get3A_20 = arith.constant 0 : index
    %get3A_21 = arith.constant 0 : index
    %get3A_22 = vector.load %arg6[%get3A_20, %get3A_21] : memref<128x128xf32, #tpu.memory_space<vmem>>, vector<128x128xf32>
    %dot_general3A_23 = arith.constant dense<0.000000e+00> : vector<1000x128xf32>
    %dot_general3A_24 = tpu.matmul %max3A_19, %get3A_22, %dot_general3A_23 {dimension_numbers = #tpu.dot_dimension_numbers<[1], [0], [0], [1], [0, 0, 1, 1], [], []>, transpose_lhs_hint = false} : vector<1000x128xf32>, vector<128x128xf32>, vector<1000x128xf32> -> vector<1000x128xf32>
    %get3A_25 = arith.constant 0 : index
    %get3A_26 = arith.constant 0 : index
    %get3A_27 = vector.load %arg7[%get3A_25, %get3A_26] : memref<1x128xf32, #tpu.memory_space<vmem>>, vector<1x128xf32>
    %add3A_28 = vector.broadcast %get3A_27 : vector<1x128xf32> to vector<1000x128xf32>
    %add3A_29 = arith.addf %dot_general3A_24, %add3A_28 : vector<1000x128xf32>
    %max3A_30 = arith.constant 0.000000e+00 : f32
    %max3A_31 = vector.broadcast %max3A_30 : f32 to vector<1000x128xf32>
    %max3A_32 = arith.maximumf %add3A_29, %max3A_31 : vector<1000x128xf32>
    %swap3A = arith.constant 0 : index
    %swap3A_33 = arith.constant 0 : index
    %swap3A_34 = vector.load %arg8[%swap3A, %swap3A_33] : memref<1000x128xf32, #tpu.memory_space<vmem>>, vector<1000x128xf32>
    tpu.vector_store %arg8[%swap3A, %swap3A_33], %max3A_32 {strides = array<i32>} : memref<1000x128xf32, #tpu.memory_space<vmem>>, vector<1000x128xf32>,
    return
  }
  func.func @transform_0(%arg0: i32) -> (i32, i32) {
    %c0_i32 = arith.constant 0 : i32
    %c0_i32_0 = arith.constant 0 : i32
    return %arg0, %c0_i32 : i32, i32
  }
  func.func @transform_1(%arg0: i32) -> (i32, i32) {
    %c0_i32 = arith.constant 0 : i32
    %c0_i32_0 = arith.constant 0 : i32
    return %arg0, %c0_i32 : i32, i32
  }
  func.func @transform_2(%arg0: i32) -> (i32, i32) {
    %c0_i32 = arith.constant 0 : i32
    %c0_i32_0 = arith.constant 0 : i32
    return %arg0, %c0_i32 : i32, i32
  }
  func.func @transform_3(%arg0: i32) -> (i32, i32) {
    %c0_i32 = arith.constant 0 : i32
    %c0_i32_0 = arith.constant 0 : i32
    %c0_i32_1 = arith.constant 0 : i32
    return %c0_i32, %c0_i32_0 : i32, i32
  }
  func.func @transform_4(%arg0: i32) -> (i32, i32) {
    %c0_i32 = arith.constant 0 : i32
    %c0_i32_0 = arith.constant 0 : i32
    %c0_i32_1 = arith.constant 0 : i32
    return %c0_i32, %c0_i32_0 : i32, i32
  }
  func.func @transform_5(%arg0: i32) -> (i32, i32) {
    %c0_i32 = arith.constant 0 : i32
    %c0_i32_0 = arith.constant 0 : i32
    %c0_i32_1 = arith.constant 0 : i32
    return %c0_i32, %c0_i32_0 : i32, i32
  }
  func.func @transform_6(%arg0: i32) -> (i32, i32) {
    %c0_i32 = arith.constant 0 : i32
    %c0_i32_0 = arith.constant 0 : i32
    %c0_i32_1 = arith.constant 0 : i32
    return %c0_i32, %c0_i32_0 : i32, i32
  }
  func.func @transform_7(%arg0: i32) -> (i32, i32) {
    %c0_i32 = arith.constant 0 : i32
    %c0_i32_0 = arith.constant 0 : i32
    return %arg0, %c0_i32 : i32, i32
  }
}

module attributes {stable_mosaic.version = 14 : i64} {
  func.func @_mlp_body(%arg0: i32, %arg1: memref<1000x128xf32, #tpu.memory_space<vmem>>, %arg2: memref<1000x128xf32, #tpu.memory_space<vmem>>, %arg3: memref<1000x128xf32, #tpu.memory_space<vmem>>, %arg4: memref<128x128xf32, #tpu.memory_space<vmem>>, %arg5: memref<1x128xf32, #tpu.memory_space<vmem>>, %arg6: memref<128x128xf32, #tpu.memory_space<vmem>>, %arg7: memref<1x128xf32, #tpu.memory_space<vmem>>, %arg8: memref<1000x128xf32, #tpu.memory_space<vmem>>) attributes {dimension_semantics = [#tpu.dimension_semantics<arbitrary>], iteration_bounds = array<i64: 10>, scalar_prefetch = 0 : i64, scratch_operands = 0 : i64, tpu.core_type = #tpu.core_type<tc>, window_params = [{transform_indices = @transform_0, window_bounds = array<i64: 1000, 128>}, {transform_indices = @transform_1, window_bounds = array<i64: 1000, 128>}, {transform_indices = @transform_2, window_bounds = array<i64: 1000, 128>}, {pipeline_mode = #tpu.pipeline_mode<synchronous>, transform_indices = @transform_3, window_bounds = array<i64: 128, 128>}, {pipeline_mode = #tpu.pipeline_mode<synchronous>, transform_indices = @transform_4, window_bounds = array<i64: 1, 128>}, {pipeline_mode = #tpu.pipeline_mode<synchronous>, transform_indices = @transform_5, window_bounds = array<i64: 128, 128>}, {pipeline_mode = #tpu.pipeline_mode<synchronous>, transform_indices = @transform_6, window_bounds = array<i64: 1, 128>}, {transform_indices = @transform_7, window_bounds = array<i64: 1000, 128>}]} {
    %get3A = arith.constant 0 : index
    %get3A_0 = arith.constant 0 : index
    %get3A_1 = vector.load %arg1[%get3A, %get3A_0] : memref<1000x128xf32, #tpu.memory_space<vmem>>, vector<1000x128xf32>
    %get3A_2 = arith.constant 0 : index
    %get3A_3 = arith.constant 0 : index
    %get3A_4 = vector.load %arg2[%get3A_2, %get3A_3] : memref<1000x128xf32, #tpu.memory_space<vmem>>, vector<1000x128xf32>
    %add3A = arith.addf %get3A_1, %get3A_4 : vector<1000x128xf32>
    %get3A_5 = arith.constant 0 : index
    %get3A_6 = arith.constant 0 : index
    %get3A_7 = vector.load %arg3[%get3A_5, %get3A_6] : memref<1000x128xf32, #tpu.memory_space<vmem>>, vector<1000x128xf32>
    %add3A_8 = arith.addf %add3A, %get3A_7 : vector<1000x128xf32>
    %get3A_9 = arith.constant 0 : index
    %get3A_10 = arith.constant 0 : index
    %get3A_11 = vector.load %arg4[%get3A_9, %get3A_10] : memref<128x128xf32, #tpu.memory_space<vmem>>, vector<128x128xf32>
    %dot_general3A = arith.constant dense<0.000000e+00> : vector<1000x128xf32>
    %dot_general3A_12 = tpu.matmul %add3A_8, %get3A_11, %dot_general3A {dimension_numbers = #tpu.dot_dimension_numbers<[1], [0], [0], [1], [0, 0, 1, 1], [], []>, transpose_lhs_hint = false} : vector<1000x128xf32>, vector<128x128xf32>, vector<1000x128xf32> -> vector<1000x128xf32>
    %get3A_13 = arith.constant 0 : index
    %get3A_14 = arith.constant 0 : index
    %get3A_15 = vector.load %arg5[%get3A_13, %get3A_14] : memref<1x128xf32, #tpu.memory_space<vmem>>, vector<1x128xf32>
    %add3A_16 = vector.broadcast %get3A_15 : vector<1x128xf32> to vector<1000x128xf32>
    %add3A_17 = arith.addf %dot_general3A_12, %add3A_16 : vector<1000x128xf32>
    %max3A = arith.constant 0.000000e+00 : f32
    %max3A_18 = vector.broadcast %max3A : f32 to vector<1000x128xf32>
    %max3A_19 = arith.maximumf %add3A_17, %max3A_18 : vector<1000x128xf32>
    %get3A_20 = arith.constant 0 : index
    %get3A_21 = arith.constant 0 : index
    %get3A_22 = vector.load %arg6[%get3A_20, %get3A_21] : memref<128x128xf32, #tpu.memory_space<vmem>>, vector<128x128xf32>
    %dot_general3A_23 = arith.constant dense<0.000000e+00> : vector<1000x128xf32>
    %dot_general3A_24 = tpu.matmul %max3A_19, %get3A_22, %dot_general3A_23 {dimension_numbers = #tpu.dot_dimension_numbers<[1], [0], [0], [1], [0, 0, 1, 1], [], []>, transpose_lhs_hint = false} : vector<1000x128xf32>, vector<128x128xf32>, vector<1000x128xf32> -> vector<1000x128xf32>
    %get3A_25 = arith.constant 0 : index
    %get3A_26 = arith.constant 0 : index
    %get3A_27 = vector.load %arg7[%get3A_25, %get3A_26] : memref<1x128xf32, #tpu.memory_space<vmem>>, vector<1x128xf32>
    %add3A_28 = vector.broadcast %get3A_27 : vector<1x128xf32> to vector<1000x128xf32>
    %add3A_29 = arith.addf %dot_general3A_24, %add3A_28 : vector<1000x128xf32>
    %reduce_max3A = arith.constant dense<0xFF800000> : vector<1000xf32>
    %reduce_max3A_30 = vector.multi_reduction <maximumf>, %add3A_29, %reduce_max3A [1] : vector<1000x128xf32> to vector<1000xf32>
    %broadcast_in_dim3A = vector.shape_cast %reduce_max3A_30 : vector<1000xf32> to vector<1000x1xf32>
    %sub3A = vector.broadcast %broadcast_in_dim3A : vector<1000x1xf32> to vector<1000x128xf32>
    %sub3A_31 = arith.subf %add3A_29, %sub3A : vector<1000x128xf32>
    %exp3A = math.exp %sub3A_31 : vector<1000x128xf32>
    %reduce_sum3A = arith.constant dense<0.000000e+00> : vector<1000xf32>
    %reduce_sum3A_32 = vector.multi_reduction <add>, %exp3A, %reduce_sum3A [1] : vector<1000x128xf32> to vector<1000xf32>
    %broadcast_in_dim3A_33 = vector.shape_cast %reduce_sum3A_32 : vector<1000xf32> to vector<1000x1xf32>
    %log3A = math.log %broadcast_in_dim3A_33 : vector<1000x1xf32>
    %sub3A_34 = vector.broadcast %log3A : vector<1000x1xf32> to vector<1000x128xf32>
    %sub3A_35 = arith.subf %sub3A_31, %sub3A_34 : vector<1000x128xf32>
    %swap3A = arith.constant 0 : index
    %swap3A_36 = arith.constant 0 : index
    %swap3A_37 = vector.load %arg8[%swap3A, %swap3A_36] : memref<1000x128xf32, #tpu.memory_space<vmem>>, vector<1000x128xf32>
    tpu.vector_store %arg8[%swap3A, %swap3A_36], %sub3A_35 {strides = array<i32>} : memref<1000x128xf32, #tpu.memory_space<vmem>>, vector<1000x128xf32>,
    return
  }
  func.func @transform_0(%arg0: i32) -> (i32, i32) {
    %c0_i32 = arith.constant 0 : i32
    %c0_i32_0 = arith.constant 0 : i32
    return %arg0, %c0_i32 : i32, i32
  }
  func.func @transform_1(%arg0: i32) -> (i32, i32) {
    %c0_i32 = arith.constant 0 : i32
    %c0_i32_0 = arith.constant 0 : i32
    return %arg0, %c0_i32 : i32, i32
  }
  func.func @transform_2(%arg0: i32) -> (i32, i32) {
    %c0_i32 = arith.constant 0 : i32
    %c0_i32_0 = arith.constant 0 : i32
    return %arg0, %c0_i32 : i32, i32
  }
  func.func @transform_3(%arg0: i32) -> (i32, i32) {
    %c0_i32 = arith.constant 0 : i32
    %c0_i32_0 = arith.constant 0 : i32
    %c0_i32_1 = arith.constant 0 : i32
    return %c0_i32, %c0_i32_0 : i32, i32
  }
  func.func @transform_4(%arg0: i32) -> (i32, i32) {
    %c0_i32 = arith.constant 0 : i32
    %c0_i32_0 = arith.constant 0 : i32
    %c0_i32_1 = arith.constant 0 : i32
    return %c0_i32, %c0_i32_0 : i32, i32
  }
  func.func @transform_5(%arg0: i32) -> (i32, i32) {
    %c0_i32 = arith.constant 0 : i32
    %c0_i32_0 = arith.constant 0 : i32
    %c0_i32_1 = arith.constant 0 : i32
    return %c0_i32, %c0_i32_0 : i32, i32
  }
  func.func @transform_6(%arg0: i32) -> (i32, i32) {
    %c0_i32 = arith.constant 0 : i32
    %c0_i32_0 = arith.constant 0 : i32
    %c0_i32_1 = arith.constant 0 : i32
    return %c0_i32, %c0_i32_0 : i32, i32
  }
  func.func @transform_7(%arg0: i32) -> (i32, i32) {
    %c0_i32 = arith.constant 0 : i32
    %c0_i32_0 = arith.constant 0 : i32
    return %arg0, %c0_i32 : i32, i32
  }
}

</mosaic_0001>

<sc_bundles>
// kernel: kernel.6.cloned.1.call-start
scs
__scs_entry_jumppad:
0x0: {  	(pc) =	sbr.rel $0x88, $3  }
0x1: {  	(tag) =	ssettag $0x0;
	lr =	simm.s32 $0x1  }
0x2: {  	[smem:$0x3F97] =	sst lr;
	_ =	strace $0xD0000000  }
0x3: {  	_ = 	snop  }
0x4: {  	_ = 	snop  }
0x5: {  	_ = 	snop  }
0x6: {  	_ = 	snop  }
0x7: {  	_ = 	snop  }
__scs_overlays_trampoline_lowered:
0x8: {  	[smem:$0x3FA6] =	sst s0  }
0x9: {  	[smem:$0x3FA7] =	sst s1  }
0xa: {  	[smem:$0x3FA8] =	sst s2  }
0xb: {  	[smem:$0x3FA9] =	sst s3  }
0xc: {  	[smem:$0x3FAA] =	sst s4  }
0xd: {  	[smem:$0x3FAB] =	sst s5  }
0xe: {  	[smem:$0x3FAC] =	sst s6  }
0xf: {  	[smem:$0x3FAD] =	sst s7  }
0x10: {  	[smem:$0x3FAE] =	sst s8  }
0x11: {  	[smem:$0x3FAF] =	sst s9;
	s0 =	simm.s32 @!p0 $0x0  }
0x12: {  	s1 =	sld [smem:$0x3F95];
	s0 =	simm.s32 @p0 $0x1  }
0x13: {  	[smem:$0x3FB0] =	sst s0;
	s0 =	simm.s32 @!p1 $0x0  }
0x14: {  	s2 =	sld [smem:$0x3F94];
	s0 =	simm.s32 @p1 $0x1  }
0x15: {  	[smem:$0x3FB1] =	sst s0;
	s0 =	simm.s32 @!p2 $0x0  }
0x16: {  	s3 =	sld [smem:$0x3FDB];
	s0 =	simm.s32 @p2 $0x1  }
0x17: {  	s4 =	simm.s32 $0x1BF5;
	[smem:$0x3FB3] =	sst s0  }
0x18: {  	s0 =	sld [smem:$0x3F96];
	_ =	swait.ge [sflag:s4], $0x0  }
0x19: {  	s7 =	sld [smem:$0x3F97]  }
0x1a: {  	s8 =	sadd.s32 $0xFFFFE003, lr  }
0x1b: {  	s9 =	sadd.s32 $0xFFFFFEF7, lr;
	s5 =	simm.s32 $0xFFFFFFFF;
	p2 =	slt.u32 s8, $0xFFFFF086  }
0x1c: {  	p1 =	slt.u32 s9, $0xF7A;
	s5 =	simm.s32 @!p2 $0x0  }
0x1d: {  	s5 =	simm.s32 @p1 $0x1;
	p0 =	seq.s32 s7, s2  }
0x1e: {  	s7 =	smul.u32 @!p0 $0xF7A, s2;
	p2 =	seq.s32 @!p0 s5, $0x0  }
0x1f: {  	s9 =	smul.u32 $0xF7A, s1;
	s8 =	simm.s32 @!p0 $0x1BF5;
	p2 =	por !p2, p0  }
0x20: {  	[sflag:s8] =	ssyncset.s32 @!p0 $0xFFFFF086;
	s6 =	sadd.s32 @!p0 s3, s7;
	s7 =	simm.s32 @!p0 $0x108  }
0x21: {  	s3 =	sadd.s32 s3, s9;
	s6 =	sadd.s32 @!p0 $0x88, s6;
	s7 =	simm.s32 @p2 $0x1082  }
0x22: {  	[simem:s7], [sflag:s8] =	dma.local @!p0 [hbm:s6], $0xF7A  }
0x23: {  	s9 =	sor.u32 $0xD0000000, s2;
	s6 =	simm.s32 $0x108;
	_ =	swait.ge @!p0 [sflag:s8], $0x0  }
0x24: {  	s3 =	sadd.s32 $0x88, s3;
	s6 =	simm.s32 @!p1 $0x1082;
	[sflag:s4] =	ssyncset.s32 $0xFFFFF086  }
0x25: {  	[simem:s6], [sflag:s4] =	dma.local [hbm:s3], $0xF7A  }
0x26: {  	[smem:$0x3F97] =	sst s1;
	(tag) =	ssettag s2;
	_ =	strace s9  }
0x27: {  	s1 =	sld [smem:$0x3FA7]  }
0x28: {  	s2 =	sld [smem:$0x3FA8]  }
0x29: {  	s4 =	sld [smem:$0x3FAA]  }
0x2a: {  	p0 =	seq.s32 s5, $0x0;
	s5 =	sld [smem:$0x3FAB]  }
0x2b: {  	s6 =	sld [smem:$0x3FAC]  }
0x2c: {  	s7 =	sld [smem:$0x3FAD]  }
0x2d: {  	s3 =	simm.s32 $0x108;
	s8 =	sld [smem:$0x3FAE]  }
0x2e: {  	s3 =	simm.s32 @!p0 $0x1082;
	s9 =	sld [smem:$0x3FAF]  }
0x2f: {  	lr =	sadd.s32 s0, s3;
	s0 =	sld [smem:$0x3FA6]  }
0x30: {  	s3 =	sld [smem:$0x3FA9]  }
0x31: {  	[smem:$0x3FB2] =	sst s10  }
0x32: {  	s10 =	sld [smem:$0x3FB0];
	_ =	sdelay $0x3  }
0x33: {  	p0 =	seq.s32 s10, $0x1;
	s10 =	sld [smem:$0x3FB2];
	_ =	sdelay $0x3  }
0x34: {  	[smem:$0x3FB2] =	sst s10  }
0x35: {  	s10 =	sld [smem:$0x3FB1];
	_ =	sdelay $0x3  }
0x36: {  	p1 =	seq.s32 s10, $0x1;
	s10 =	sld [smem:$0x3FB2];
	_ =	sdelay $0x3  }
0x37: {  	[smem:$0x3FB2] =	sst s10  }
0x38: {  	s10 =	sld [smem:$0x3FB3]  }
0x39: {  	_ = 	snop;
	(pc) =	sbr.ind lr, $3  }
0x3a: {  	_ = 	snop  }
0x3b: {  	_ = 	snop  }
0x3c: {  	p2 =	seq.s32 s10, $0x1;
	s10 =	sld [smem:$0x3FB2]  }
0x3d: {  	_ =	shalt  }
0x3e: {  	_ =	shalt  }
0x3f: {  	_ =	shalt  }
0x40: {  	_ =	shalt  }
0x41: {  	_ =	shalt  }
0x42: {  	_ =	shalt  }
0x43: {  	_ =	shalt  }
0x44: {  	_ =	shalt  }
0x45: {  	_ =	shalt  }
0x46: {  	_ =	shalt  }
0x47: {  	_ =	shalt  }
0x48: {  	_ =	shalt  }
0x49: {  	_ =	shalt  }
0x4a: {  	_ =	shalt  }
0x4b: {  	_ =	shalt  }
0x4c: {  	_ =	shalt  }
0x4d: {  	_ =	shalt  }
0x4e: {  	_ =	shalt  }
0x4f: {  	_ =	shalt  }
0x50: {  	_ =	shalt  }
0x51: {  	_ =	shalt  }
0x52: {  	_ =	shalt  }
0x53: {  	_ =	shalt  }
0x54: {  	_ =	shalt  }
0x55: {  	_ =	shalt  }
0x56: {  	_ =	shalt  }
0x57: {  	_ =	shalt  }
0x58: {  	_ =	shalt  }
0x59: {  	_ =	shalt  }
0x5a: {  	_ =	shalt  }
0x5b: {  	_ =	shalt  }
0x5c: {  	_ =	shalt  }
0x5d: {  	_ =	shalt  }
0x5e: {  	_ =	shalt  }
0x5f: {  	_ =	shalt  }
0x60: {  	_ =	shalt  }
0x61: {  	_ =	shalt  }
0x62: {  	_ =	shalt  }
0x63: {  	_ =	shalt  }
0x64: {  	_ =	shalt  }
0x65: {  	_ =	shalt  }
0x66: {  	_ =	shalt  }
0x67: {  	_ =	shalt  }
0x68: {  	_ =	shalt  }
0x69: {  	_ =	shalt  }
0x6a: {  	_ =	shalt  }
0x6b: {  	_ =	shalt  }
0x6c: {  	_ =	shalt  }
0x6d: {  	_ =	shalt  }
0x6e: {  	_ =	shalt  }
0x6f: {  	_ =	shalt  }
0x70: {  	_ =	shalt  }
0x71: {  	_ =	shalt  }
0x72: {  	_ =	shalt  }
0x73: {  	_ =	shalt  }
0x74: {  	_ =	shalt  }
0x75: {  	_ =	shalt  }
0x76: {  	_ =	shalt  }
0x77: {  	_ =	shalt  }
0x78: {  	_ =	shalt  }
0x79: {  	_ =	shalt  }
0x7a: {  	_ =	shalt  }
0x7b: {  	_ =	shalt  }
0x7c: {  	_ =	shalt  }
0x7d: {  	_ =	shalt  }
0x7e: {  	_ =	shalt  }
0x7f: {  	_ =	shalt  }
0x80: {  	_ =	shalt  }
0x81: {  	_ =	shalt  }
0x82: {  	_ =	shalt  }
0x83: {  	_ =	shalt  }
0x84: {  	_ =	shalt  }
0x85: {  	_ =	shalt  }
0x86: {  	_ =	shalt  }
0x87: {  	_ =	shalt  }
.Lfunc_end0:
.L_simem_size_0:
called_computation_lowered:
.L_overlay_start_0:
0x88: {  	s2 =	sld [smem:$0x3FD9]  }
0x89: {  	s3 =	sld [smem:$0x3FFE];
	_ =	sdelay $0x1  }
0x8a: {  	s1 =	srdreg.scid  }
0x8b: {  	s0 =	sand.u32 $0x1, s1  }
0x8c: {  	s17 =	sshll.u32 s0, $0xA;
	s2 =	sadd.s32 s3, s2  }
0x8d: {  	s2 =	sadd.s32 s2, s17  }
0x8e: {  	[smem:$0x3FBE] =	sst s2  }
0x8f: {  	_ = 	snop  }
0x90: {  	s2 =	sld [smem:$0x3FC9];
	(tm) =	ssettm $0x1  }
0x91: {  	s18 =	sld [smem:$0x3FFB];
	_ =	sdelay $0x3  }
0x92: {  	_ =	strace s18  }
0x93: {  	s3 =	sld [smem:$0x3FFC];
	_ =	sdelay $0x3  }
0x94: {  	_ =	strace s3  }
0x95: {  	s3 =	sld [smem:$0x3FFD];
	_ =	sdelay $0x3  }
0x96: {  	_ =	strace s3  }
0x97: {  	_ =	strace $0x8FFFFFFF  }
0x98: {  	s19 =	sld [smem:$0x3FDB];
	_ =	sdelay $0x1  }
0x99: {  	s4 =	simm.s32 $_scs_section_size  }
0x9a: {  	s5 =	simm.s32 $_size__tile_overlayer_lowered;
	s6 =	simm.s32 $_tile_overlayer_lowered  }
0x9b: {  	s22 =	simm.s32 $0x1BFF;
	s21 =	sshll.u32 s6, $0x1;
	s3 =	sadd.s32 s4, s19  }
0x9c: {  	s7 =	simm.s32 $0x0;
	s20 =	sshll.u32 s5, $0x1;
	s5 =	sadd.s32 s21, s3  }
0x9d: {  	[timem:s7], [sflag:s22] =	dma.local [hbm:s5], s20  }
0x9e: {  	_ =	swait.ge [sflag:s22], s20  }
0x9f: {  	s4 =	ssub.s32 $0x0, s20;
	[sflag:s22] =	ssyncset.done $0x0  }
0xa0: {  	[sflag:s22] =	ssyncadd.s32 s4;
	_ =	sdelay $0x1  }
0xa1: {  	s23 =	simm.s32 $0x1B8B  }
0xa2: {  	_ =	swait.ge [sflag:s23], $0x1  }
0xa3: {  	[sflag:s23] =	ssyncset.done $0x0  }
0xa4: {  	s25 =	simm.s32 $0x1B8E;
	s24 =	sld [smem:$0x3FFE];
	[sflag:s23] =	ssyncadd.s32 $0xFFFFFFFF  }
0xa5: {  	s26 =	simm.s32 $execute0_lowered;
	[smem:$0x3FD2] =	sst s25  }
0xa6: {  	s5 =	sshll.u32 s26, $0x1;
	_ =	strace $0x80000046;
	[dreg:$0x1] =	wrdreg $0xFFFFFFFF  }
0xa7: {  	s28 =	simm.s32 $_size_execute0_lowered;
	s3 =	sadd.s32 s3, s5;
	[dreg:$0x0] =	wrdreg $0x0  }
0xa8: {  	s5 =	sshll.u32 s28, $0x1;
	[dreg:$0x2] =	wrdreg s3  }
0xa9: {  	[dreg:$0x3] =	wrdreg s5  }
0xaa: {  	[dreg:$0x4] =	wrdreg $0xC0  }
0xab: {  	_ =	task [dreg:s7], $0x5FFFF  }
0xac: {  	[dreg:$0x1] =	wrdreg $0xFFFFFFFF  }
0xad: {  	[dreg:$0x0] =	wrdreg $0x60  }
0xae: {  	[dreg:$0x2] =	wrdreg s2  }
0xaf: {  	[dreg:$0x3] =	wrdreg s24  }
0xb0: {  	[dreg:$0x4] =	wrdreg $0x90000  }
0xb1: {  	[dreg:$0x5] =	wrdreg $0x9  }
0xb2: {  	_ =	task.clear_ibuf [dreg:s7], $0x6FFFF;
	_ =	strace $0x90000046  }
0xb3: {  	s29 =	simm.s32 $0x9;
	_ =	strace $0x80000048  }
0xb4: {  	_ =	swait.ge [sflag:s29], $0x1  }
0xb5: {  	[sflag:s29] =	ssyncadd.s32 $0xFFFFFFFF  }
0xb6: {  	_ =	strace $0x90000048  }
0xb7: {  	_ =	sfence  }
0xb8: {  	s30 =	sld [smem:$0x0];
	_ =	sdelay $0x2  }
0xb9: {  	s31 =	sshll.u32 s1, $0xD;
	s1 =	sshrl.u32 s1, $0x2  }
0xba: {  	s3 =	sand.u32 $0x4000, s31;
	s1 =	sadd.s32 s1, s30  }
0xbb: {  	s0 =	sor.u32 s3, s0;
	s1 =	sshll.u32 s1, $0x11  }
0xbc: {  	s0 =	sor.u32 s1, s0  }
0xbd: {  	s0 =	sadd.s32 $0x8F2B, s0  }
0xbe: {  	[sflag:s0] =	ssyncadd.remote.s32 $0x1  }
0xbf: {  	_ =	sfence.sel $0xFFFF  }
0xc0: {  	[dreg:$0x0] =	wrdreg $0xFFFFFFFF;
	(pc) =	sbr.abs _section_cstart, $3  }
0xc1: {  	[dreg:$0x1] =	wrdreg $0xFFFFFFFF  }
0xc2: {  	_ =	task.clear_ibuf [dreg:s7], $0x2FFFF;
	_ =	strace $0x9FFFFFFF  }
0xc3: {  	(tm) =	ssettm $0x7FFFFFFF  }
tec
execute0_lowered:
.L_overlay_start_1:
0x0: {  	(tag) =	ssettag $0x1  }
0x1: {  	s1 =	rddreg [dreg:$0x0]  }
0x2: {  	s2 =	srdreg.scid;
	s6 =	rddreg [dreg:$0x1]  }
0x3: {  	s0 =	stileid.u32;
	s3 =	rddreg [dreg:$0x2]  }
0x4: {  	s4 =	simm.s32 $0x0;
	s14 =	simm.s32 $0x80;
	s15 =	simm.s32 $0x5000  }
0x5: {  	s16 =	simm.s32 $0x1;
	s17 =	simm.s32 $0x0;
	s8 =	smul.u32 $0x13C00, s0  }
0x6: {  	s5 =	sand.u32 $0x1, s2;
	s26 =	sshll.u32 s0, $0x1;
	s29 =	smul.u32 $0x4F000, s0  }
0x7: {  	[smem:$0x7FF] =	sst s4;
	s2 =	sor.u32 s5, s26;
	s9 =	smul.u32 $0x13C000, s5  }
0x8: {  	s31 =	sshll.u32 s0, $0x6;
	s5 =	ssub.s32 $0x2, s5;
	s7 =	smul.u32 $0x500, s2  }
0x9: {  	s2 =	rddreg [dreg:$0x3];
	_ =	strace $0x80000047;
	s28 =	sshrl.u32 s8, $0x3  }
0xa: {  	s11 =	sshrl.u32 s5, $0x1;
	s30 =	sshrl.u32 s29, $0x2;
	s8 =	sadd.s32 s8, s9  }
0xb: {  	s11 =	ssub.s32 s5, s11;
	s13 =	sadd.s32 s30, s3;
	s8 =	sshrl.u32 s8, $0x3  }
0xc: {  	s10 =	sadd.s32 s7, s6;
	s7 =	sadd.s32 s28, s6;
	s12 =	sadd.s32 s8, s6  }
0xd: {  	s5 =	sadd.s32 $0x16200, s7;
	s6 =	sor.u32 $0x1C02, s31;
	s7 =	sadd.s32 $0xC200, s10  }
0xe: {  	s8 =	sadd.s32 $0x2200, s10;
	s10 =	smax.u32 s11, $0x1;
	s11 =	sshrl.u32 s13, $0x3  }
0xf: {  	s13 =	simm.s32 $0x2800;
	s9 =	sadd.s32 $0x3DA00, s12;
	s12 =	simm.s32 $0x2  }
.LBB2_1:
0x10: {  	[spmem:s11], [sflag:s6] =	dma.local [hbm:s5], $0x2780  }
0x11: {  	_ =	swait.ge [sflag:s12], $0x2780  }
0x12: {  	[sflag:s12] =	ssyncset.done $0x0  }
0x13: {  	[sflag:s12] =	ssyncadd.s32 $0xFFFFD880  }
0x14: {  	[tilespmem:s4], [sflag:$0x2] =	stream.linear.gather [hbm4b:s7+s4], $0x2800, $0x38;
	[tilespmem:$0x1CC00] =	vst v63  }
0x15: {  	_ =	swait.ge [sflag:s12], $0x2800  }
0x16: {  	[sflag:s12] =	ssyncset.done $0x0  }
0x17: {  	[sflag:s12] =	ssyncadd.s32 $0xFFFFD800  }
0x18: {  	[tilespmem:s13], [sflag:$0x2] =	stream.linear.gather [hbm4b:s8+s4], $0x2800, $0x38;
	[tilespmem:$0x1CC00] =	vst v63  }
0x19: {  	_ =	swait.ge [sflag:s12], $0x2800  }
0x1a: {  	[sflag:s12] =	ssyncset.done $0x0  }
0x1b: {  	[sflag:s12] =	ssyncadd.s32 $0xFFFFD800  }
0x1c: {  	s18 =	simm.s32 $0x0;
	[bflag:$0x0] =	sbarrier.arrive $0xFFFF  }
0x1d: {  	[tilespmem:s15], [sflag:$0x1] =	stream.indirect.gather [hbm4b:s1+s14], $0x80, s18, s14, $0xb8;
	[tilespmem:$0x1CC00] =	vst v63  }
0x1e: {  	_ =	swait.ge [sflag:s16], $0x4000  }
0x1f: {  	[sflag:s16] =	ssyncset.done $0x0  }
0x20: {  	s31 =	simm.s32 $0x2800;
	[sflag:s16] =	ssyncadd.s32 $0xFFFFC000  }
0x21: {  	[spmem:s3] =	stream.indirect.scatter.add.f32 [tilespmem:s15], [sflag:$0x2], $0x80, s31, s14, $0xb8;
	[tilespmem:$0x1CC00] =	vst v63  }
0x22: {  	_ =	swait.ge [sflag:s12], $0x4000  }
0x23: {  	s19 =	simm.s32 $0x400;
	s18 =	simm.s32 $0x200;
	[sflag:s12] =	ssyncset.done $0x0  }
.LBB2_2:
0x24: {  	s20 =	sshra.s32 s18, $0x2  }
0x25: {  	[sflag:s12] =	ssyncadd.s32 $0xFFFFC000;
	s18 =	smov.u32 s19;
	s21 =	sadd.s32 $0x200, s19  }
0x26: {  	[tilespmem:s15], [sflag:$0x1] =	stream.indirect.gather [hbm4b:s1+s14], $0x80, s20, s14, $0xb8;
	[tilespmem:$0x1CC00] =	vst v63  }
0x27: {  	p0 =	sne.s32 s19, $0x9E00;
	_ =	swait.ge [sflag:s16], $0x4000  }
.Ltmp0:
0x28: {  	[sflag:s16] =	ssyncset.done $0x0;
	(pc) =	sbr.rel @p0 .LBB2_2-.Ltmp0, $4  }
0x29: {  	s19 =	sadd.s32 $0x2800, s20;
	[sflag:s16] =	ssyncadd.s32 $0xFFFFC000  }
0x2a: {  	[spmem:s3] =	stream.indirect.scatter.add.f32 [tilespmem:s15], [sflag:$0x2], $0x80, s19, s14, $0xb8;
	[tilespmem:$0x1CC00] =	vst v63  }
0x2b: {  	_ =	swait.ge [sflag:s12], $0x4000  }
0x2c: {  	s19 =	smov.u32 s21;
	[sflag:s12] =	ssyncset.done $0x0  }
0x2d: {  	s18 =	sshra.s32 s18, $0x2;
	[sflag:s12] =	ssyncadd.s32 $0xFFFFC000  }
0x2e: {  	[tilespmem:s15], [sflag:$0x1] =	stream.indirect.gather [hbm4b:s1+s14], $0x80, s18, s14, $0xb8;
	[tilespmem:$0x1CC00] =	vst v63  }
0x2f: {  	_ =	swait.ge [sflag:s16], $0x4000  }
0x30: {  	[sflag:s16] =	ssyncset.done $0x0  }
0x31: {  	s18 =	sadd.s32 $0x2800, s18;
	[sflag:s16] =	ssyncadd.s32 $0xFFFFC000  }
0x32: {  	[spmem:s3] =	stream.indirect.scatter.add.f32 [tilespmem:s15], [sflag:$0x2], $0x80, s18, s14, $0xb8;
	[tilespmem:$0x1CC00] =	vst v63  }
0x33: {  	_ =	swait.ge [sflag:s12], $0x4000  }
0x34: {  	s17 =	sadd.s32 $0x1, s17;
	[sflag:s12] =	ssyncset.done $0x0  }
0x35: {  	p0 =	sne.s32 s17, s10;
	[sflag:s12] =	ssyncadd.s32 $0xFFFFC000  }
.Ltmp1:
0x36: {  	[bflag:$0x0] =	sbarrier.arrive $0xFFFF;
	(pc) =	sbr.rel @p0 .LBB2_1-.Ltmp1, $4  }
0x37: {  	[hbm:s9], [sflag:s6] =	dma.local [spmem:s11], $0x2780  }
0x38: {  	_ =	swait.ge [sflag:s12], $0x2780  }
0x39: {  	[sflag:s12] =	ssyncset.done $0x0  }
0x3a: {  	[sflag:s12] =	ssyncadd.s32 $0xFFFFD880  }
0x3b: {  	_ =	sfence.sel $0x180000  }
0x3c: {  	[bflag:$0x0] =	sbarrier.arrive $0xFFFF  }
0x3d: {  	p0 =	sne.s32 s0, $0x0;
	_ =	strace $0x90000047  }
0x3e: {  	s0 =	sadd.s32 @!p0 $0x100000, s2;
	[bflag:$0x2] =	sbarrier.arrive $0xFFFF  }
0x3f: {  	[sflag:s0] =	ssyncadd.tile.s32 @!p0 $0x1;
	_ =	shalt  }
.Lfunc_end2:
_tile_overlayer_lowered:
.L_overlay_start_2:
0x40: {  	(tag) =	ssettag $0x2  }
0x41: {  	s0 =	rddreg [dreg:$0x0];
	s2 =	stileid.u32  }
0x42: {  	s1 =	rddreg [dreg:$0x1];
	p0 =	sne.s32 s2, $0x0  }
0x43: {  	s3 =	rddreg [dreg:$0x2];
	[bflag:$0x3] =	sbarrier.arrive $0xFFFF;
	s2 =	simm.s32 @!p0 $0x1C02  }
0x44: {  	[timem:s3], [sflag:s2] =	dma.local @!p0 [hbm:s0], s1  }
0x45: {  	s0 =	simm.s32 @!p0 $0x2  }
0x46: {  	_ =	swait.ge @!p0 [sflag:s0], s1  }
0x47: {  	s1 =	ssub.s32 @!p0 $0x0, s1;
	[sflag:s0] =	ssyncset.done @!p0 $0x0  }
0x48: {  	[sflag:s0] =	ssyncadd.s32 @!p0 s1  }
0x49: {  	[bflag:$0x3] =	sbarrier.arrive $0xFFFF  }
0x4a: {  	_ =	shalt  }

// kernel: kernel.9.cloned.1.call-start
scs
__scs_entry_jumppad:
0x0: {  	(pc) =	sbr.rel $0x88, $3  }
0x1: {  	(tag) =	ssettag $0x0;
	lr =	simm.s32 $0x1  }
0x2: {  	[smem:$0x3F97] =	sst lr;
	_ =	strace $0xD0000000  }
0x3: {  	_ = 	snop  }
0x4: {  	_ = 	snop  }
0x5: {  	_ = 	snop  }
0x6: {  	_ = 	snop  }
0x7: {  	_ = 	snop  }
__scs_overlays_trampoline_lowered:
0x8: {  	[smem:$0x3FA6] =	sst s0  }
0x9: {  	[smem:$0x3FA7] =	sst s1  }
0xa: {  	[smem:$0x3FA8] =	sst s2  }
0xb: {  	[smem:$0x3FA9] =	sst s3  }
0xc: {  	[smem:$0x3FAA] =	sst s4  }
0xd: {  	[smem:$0x3FAB] =	sst s5  }
0xe: {  	[smem:$0x3FAC] =	sst s6  }
0xf: {  	[smem:$0x3FAD] =	sst s7  }
0x10: {  	[smem:$0x3FAE] =	sst s8  }
0x11: {  	[smem:$0x3FAF] =	sst s9;
	s0 =	simm.s32 @!p0 $0x0  }
0x12: {  	s1 =	sld [smem:$0x3F95];
	s0 =	simm.s32 @p0 $0x1  }
0x13: {  	[smem:$0x3FB0] =	sst s0;
	s0 =	simm.s32 @!p1 $0x0  }
0x14: {  	s2 =	sld [smem:$0x3F94];
	s0 =	simm.s32 @p1 $0x1  }
0x15: {  	[smem:$0x3FB1] =	sst s0;
	s0 =	simm.s32 @!p2 $0x0  }
0x16: {  	s3 =	sld [smem:$0x3FDB];
	s0 =	simm.s32 @p2 $0x1  }
0x17: {  	s4 =	simm.s32 $0x1BF5;
	[smem:$0x3FB3] =	sst s0  }
0x18: {  	s0 =	sld [smem:$0x3F96];
	_ =	swait.ge [sflag:s4], $0x0  }
0x19: {  	s7 =	sld [smem:$0x3F97]  }
0x1a: {  	s8 =	sadd.s32 $0xFFFFE003, lr  }
0x1b: {  	s9 =	sadd.s32 $0xFFFFFEF7, lr;
	s5 =	simm.s32 $0xFFFFFFFF;
	p2 =	slt.u32 s8, $0xFFFFF086  }
0x1c: {  	p1 =	slt.u32 s9, $0xF7A;
	s5 =	simm.s32 @!p2 $0x0  }
0x1d: {  	s5 =	simm.s32 @p1 $0x1;
	p0 =	seq.s32 s7, s2  }
0x1e: {  	s7 =	smul.u32 @!p0 $0xF7A, s2;
	p2 =	seq.s32 @!p0 s5, $0x0  }
0x1f: {  	s9 =	smul.u32 $0xF7A, s1;
	s8 =	simm.s32 @!p0 $0x1BF5;
	p2 =	por !p2, p0  }
0x20: {  	[sflag:s8] =	ssyncset.s32 @!p0 $0xFFFFF086;
	s6 =	sadd.s32 @!p0 s3, s7;
	s7 =	simm.s32 @!p0 $0x108  }
0x21: {  	s3 =	sadd.s32 s3, s9;
	s6 =	sadd.s32 @!p0 $0x88, s6;
	s7 =	simm.s32 @p2 $0x1082  }
0x22: {  	[simem:s7], [sflag:s8] =	dma.local @!p0 [hbm:s6], $0xF7A  }
0x23: {  	s9 =	sor.u32 $0xD0000000, s2;
	s6 =	simm.s32 $0x108;
	_ =	swait.ge @!p0 [sflag:s8], $0x0  }
0x24: {  	s3 =	sadd.s32 $0x88, s3;
	s6 =	simm.s32 @!p1 $0x1082;
	[sflag:s4] =	ssyncset.s32 $0xFFFFF086  }
0x25: {  	[simem:s6], [sflag:s4] =	dma.local [hbm:s3], $0xF7A  }
0x26: {  	[smem:$0x3F97] =	sst s1;
	(tag) =	ssettag s2;
	_ =	strace s9  }
0x27: {  	s1 =	sld [smem:$0x3FA7]  }
0x28: {  	s2 =	sld [smem:$0x3FA8]  }
0x29: {  	s4 =	sld [smem:$0x3FAA]  }
0x2a: {  	p0 =	seq.s32 s5, $0x0;
	s5 =	sld [smem:$0x3FAB]  }
0x2b: {  	s6 =	sld [smem:$0x3FAC]  }
0x2c: {  	s7 =	sld [smem:$0x3FAD]  }
0x2d: {  	s3 =	simm.s32 $0x108;
	s8 =	sld [smem:$0x3FAE]  }
0x2e: {  	s3 =	simm.s32 @!p0 $0x1082;
	s9 =	sld [smem:$0x3FAF]  }
0x2f: {  	lr =	sadd.s32 s0, s3;
	s0 =	sld [smem:$0x3FA6]  }
0x30: {  	s3 =	sld [smem:$0x3FA9]  }
0x31: {  	[smem:$0x3FB2] =	sst s10  }
0x32: {  	s10 =	sld [smem:$0x3FB0];
	_ =	sdelay $0x3  }
0x33: {  	p0 =	seq.s32 s10, $0x1;
	s10 =	sld [smem:$0x3FB2];
	_ =	sdelay $0x3  }
0x34: {  	[smem:$0x3FB2] =	sst s10  }
0x35: {  	s10 =	sld [smem:$0x3FB1];
	_ =	sdelay $0x3  }
0x36: {  	p1 =	seq.s32 s10, $0x1;
	s10 =	sld [smem:$0x3FB2];
	_ =	sdelay $0x3  }
0x37: {  	[smem:$0x3FB2] =	sst s10  }
0x38: {  	s10 =	sld [smem:$0x3FB3]  }
0x39: {  	_ = 	snop;
	(pc) =	sbr.ind lr, $3  }
0x3a: {  	_ = 	snop  }
0x3b: {  	_ = 	snop  }
0x3c: {  	p2 =	seq.s32 s10, $0x1;
	s10 =	sld [smem:$0x3FB2]  }
0x3d: {  	_ =	shalt  }
0x3e: {  	_ =	shalt  }
0x3f: {  	_ =	shalt  }
0x40: {  	_ =	shalt  }
0x41: {  	_ =	shalt  }
0x42: {  	_ =	shalt  }
0x43: {  	_ =	shalt  }
0x44: {  	_ =	shalt  }
0x45: {  	_ =	shalt  }
0x46: {  	_ =	shalt  }
0x47: {  	_ =	shalt  }
0x48: {  	_ =	shalt  }
0x49: {  	_ =	shalt  }
0x4a: {  	_ =	shalt  }
0x4b: {  	_ =	shalt  }
0x4c: {  	_ =	shalt  }
0x4d: {  	_ =	shalt  }
0x4e: {  	_ =	shalt  }
0x4f: {  	_ =	shalt  }
0x50: {  	_ =	shalt  }
0x51: {  	_ =	shalt  }
0x52: {  	_ =	shalt  }
0x53: {  	_ =	shalt  }
0x54: {  	_ =	shalt  }
0x55: {  	_ =	shalt  }
0x56: {  	_ =	shalt  }
0x57: {  	_ =	shalt  }
0x58: {  	_ =	shalt  }
0x59: {  	_ =	shalt  }
0x5a: {  	_ =	shalt  }
0x5b: {  	_ =	shalt  }
0x5c: {  	_ =	shalt  }
0x5d: {  	_ =	shalt  }
0x5e: {  	_ =	shalt  }
0x5f: {  	_ =	shalt  }
0x60: {  	_ =	shalt  }
0x61: {  	_ =	shalt  }
0x62: {  	_ =	shalt  }
0x63: {  	_ =	shalt  }
0x64: {  	_ =	shalt  }
0x65: {  	_ =	shalt  }
0x66: {  	_ =	shalt  }
0x67: {  	_ =	shalt  }
0x68: {  	_ =	shalt  }
0x69: {  	_ =	shalt  }
0x6a: {  	_ =	shalt  }
0x6b: {  	_ =	shalt  }
0x6c: {  	_ =	shalt  }
0x6d: {  	_ =	shalt  }
0x6e: {  	_ =	shalt  }
0x6f: {  	_ =	shalt  }
0x70: {  	_ =	shalt  }
0x71: {  	_ =	shalt  }
0x72: {  	_ =	shalt  }
0x73: {  	_ =	shalt  }
0x74: {  	_ =	shalt  }
0x75: {  	_ =	shalt  }
0x76: {  	_ =	shalt  }
0x77: {  	_ =	shalt  }
0x78: {  	_ =	shalt  }
0x79: {  	_ =	shalt  }
0x7a: {  	_ =	shalt  }
0x7b: {  	_ =	shalt  }
0x7c: {  	_ =	shalt  }
0x7d: {  	_ =	shalt  }
0x7e: {  	_ =	shalt  }
0x7f: {  	_ =	shalt  }
0x80: {  	_ =	shalt  }
0x81: {  	_ =	shalt  }
0x82: {  	_ =	shalt  }
0x83: {  	_ =	shalt  }
0x84: {  	_ =	shalt  }
0x85: {  	_ =	shalt  }
0x86: {  	_ =	shalt  }
0x87: {  	_ =	shalt  }
.Lfunc_end0:
.L_simem_size_0:
called_computation.1_lowered:
.L_overlay_start_0:
0x88: {  	s2 =	sld [smem:$0x3FD9]  }
0x89: {  	s3 =	sld [smem:$0x3FFE];
	_ =	sdelay $0x1  }
0x8a: {  	s1 =	srdreg.scid  }
0x8b: {  	s0 =	sand.u32 $0x1, s1  }
0x8c: {  	s17 =	sshll.u32 s0, $0xA;
	s2 =	sadd.s32 s3, s2  }
0x8d: {  	s2 =	sadd.s32 s2, s17  }
0x8e: {  	[smem:$0x3FBE] =	sst s2  }
0x8f: {  	_ = 	snop  }
0x90: {  	s2 =	sld [smem:$0x3FD0];
	(tm) =	ssettm $0x1  }
0x91: {  	s18 =	sld [smem:$0x3FFB];
	_ =	sdelay $0x3  }
0x92: {  	_ =	strace s18  }
0x93: {  	s3 =	sld [smem:$0x3FFC];
	_ =	sdelay $0x3  }
0x94: {  	_ =	strace s3  }
0x95: {  	s3 =	sld [smem:$0x3FFD];
	_ =	sdelay $0x3  }
0x96: {  	_ =	strace s3  }
0x97: {  	_ =	strace $0x8FFFFFFF  }
0x98: {  	s19 =	sld [smem:$0x3FDB];
	_ =	sdelay $0x1  }
0x99: {  	s4 =	simm.s32 $_scs_section_size  }
0x9a: {  	s5 =	simm.s32 $_size__tile_overlayer_lowered;
	s6 =	simm.s32 $_tile_overlayer_lowered  }
0x9b: {  	s22 =	simm.s32 $0x1BFF;
	s21 =	sshll.u32 s6, $0x1;
	s3 =	sadd.s32 s4, s19  }
0x9c: {  	s7 =	simm.s32 $0x0;
	s20 =	sshll.u32 s5, $0x1;
	s5 =	sadd.s32 s21, s3  }
0x9d: {  	[timem:s7], [sflag:s22] =	dma.local [hbm:s5], s20  }
0x9e: {  	_ =	swait.ge [sflag:s22], s20  }
0x9f: {  	s4 =	ssub.s32 $0x0, s20;
	[sflag:s22] =	ssyncset.done $0x0  }
0xa0: {  	[sflag:s22] =	ssyncadd.s32 s4;
	_ =	sdelay $0x1  }
0xa1: {  	s23 =	simm.s32 $0x1B8B  }
0xa2: {  	_ =	swait.ge [sflag:s23], $0x1  }
0xa3: {  	[sflag:s23] =	ssyncset.done $0x0  }
0xa4: {  	s25 =	simm.s32 $0x1B8E;
	s24 =	sld [smem:$0x3FFE];
	[sflag:s23] =	ssyncadd.s32 $0xFFFFFFFF  }
0xa5: {  	s26 =	simm.s32 $execute0_lowered;
	[smem:$0x3FD2] =	sst s25  }
0xa6: {  	s5 =	sshll.u32 s26, $0x1;
	_ =	strace $0x80000049;
	[dreg:$0x1] =	wrdreg $0xFFFFFFFF  }
0xa7: {  	s28 =	simm.s32 $_size_execute0_lowered;
	s3 =	sadd.s32 s3, s5;
	[dreg:$0x0] =	wrdreg $0x0  }
0xa8: {  	s5 =	sshll.u32 s28, $0x1;
	[dreg:$0x2] =	wrdreg s3  }
0xa9: {  	[dreg:$0x3] =	wrdreg s5  }
0xaa: {  	[dreg:$0x4] =	wrdreg $0xC0  }
0xab: {  	_ =	task [dreg:s7], $0x5FFFF  }
0xac: {  	[dreg:$0x1] =	wrdreg $0xFFFFFFFF  }
0xad: {  	[dreg:$0x0] =	wrdreg $0x60  }
0xae: {  	[dreg:$0x2] =	wrdreg s2  }
0xaf: {  	[dreg:$0x3] =	wrdreg s24  }
0xb0: {  	[dreg:$0x4] =	wrdreg $0x90000  }
0xb1: {  	[dreg:$0x5] =	wrdreg $0x9  }
0xb2: {  	_ =	task.clear_ibuf [dreg:s7], $0x6FFFF;
	_ =	strace $0x90000049  }
0xb3: {  	s29 =	simm.s32 $0x9;
	_ =	strace $0x8000004B  }
0xb4: {  	_ =	swait.ge [sflag:s29], $0x1  }
0xb5: {  	[sflag:s29] =	ssyncadd.s32 $0xFFFFFFFF  }
0xb6: {  	_ =	strace $0x9000004B  }
0xb7: {  	_ =	sfence  }
0xb8: {  	s30 =	sld [smem:$0x0];
	_ =	sdelay $0x2  }
0xb9: {  	s31 =	sshll.u32 s1, $0xD;
	s1 =	sshrl.u32 s1, $0x2  }
0xba: {  	s3 =	sand.u32 $0x4000, s31;
	s1 =	sadd.s32 s1, s30  }
0xbb: {  	s0 =	sor.u32 s3, s0;
	s1 =	sshll.u32 s1, $0x11  }
0xbc: {  	s0 =	sor.u32 s1, s0  }
0xbd: {  	s0 =	sadd.s32 $0x8F2B, s0  }
0xbe: {  	[sflag:s0] =	ssyncadd.remote.s32 $0x1  }
0xbf: {  	_ =	sfence.sel $0xFFFF  }
0xc0: {  	[dreg:$0x0] =	wrdreg $0xFFFFFFFF;
	(pc) =	sbr.abs _section_cstart, $3  }
0xc1: {  	[dreg:$0x1] =	wrdreg $0xFFFFFFFF  }
0xc2: {  	_ =	task.clear_ibuf [dreg:s7], $0x2FFFF;
	_ =	strace $0x9FFFFFFF  }
0xc3: {  	(tm) =	ssettm $0x7FFFFFFF  }
tec
execute0_lowered:
.L_overlay_start_1:
0x0: {  	(tag) =	ssettag $0x1  }
0x1: {  	s1 =	rddreg [dreg:$0x0]  }
0x2: {  	s2 =	srdreg.scid;
	s6 =	rddreg [dreg:$0x1]  }
0x3: {  	s0 =	stileid.u32;
	s3 =	rddreg [dreg:$0x2]  }
0x4: {  	s4 =	simm.s32 $0x0;
	s14 =	simm.s32 $0x80;
	s15 =	simm.s32 $0x5000  }
0x5: {  	s16 =	simm.s32 $0x1;
	s17 =	simm.s32 $0x0;
	s8 =	smul.u32 $0x13C00, s0  }
0x6: {  	s5 =	sand.u32 $0x1, s2;
	s26 =	sshll.u32 s0, $0x1;
	s29 =	smul.u32 $0x4F000, s0  }
0x7: {  	[smem:$0x7FF] =	sst s4;
	s2 =	sor.u32 s5, s26;
	s9 =	smul.u32 $0x13C000, s5  }
0x8: {  	s31 =	sshll.u32 s0, $0x6;
	s5 =	ssub.s32 $0x2, s5;
	s7 =	smul.u32 $0x500, s2  }
0x9: {  	s2 =	rddreg [dreg:$0x3];
	_ =	strace $0x8000004A;
	s28 =	sshrl.u32 s8, $0x3  }
0xa: {  	s11 =	sshrl.u32 s5, $0x1;
	s30 =	sshrl.u32 s29, $0x2;
	s8 =	sadd.s32 s8, s9  }
0xb: {  	s11 =	ssub.s32 s5, s11;
	s13 =	sadd.s32 s30, s3;
	s8 =	sshrl.u32 s8, $0x3  }
0xc: {  	s10 =	sadd.s32 s7, s6;
	s7 =	sadd.s32 s28, s6;
	s12 =	sadd.s32 s8, s6  }
0xd: {  	s5 =	sadd.s32 $0x16200, s7;
	s6 =	sor.u32 $0x1C02, s31;
	s7 =	sadd.s32 $0xC200, s10  }
0xe: {  	s8 =	sadd.s32 $0x2200, s10;
	s10 =	smax.u32 s11, $0x1;
	s11 =	sshrl.u32 s13, $0x3  }
0xf: {  	s13 =	simm.s32 $0x2800;
	s9 =	sadd.s32 $0x3DA00, s12;
	s12 =	simm.s32 $0x2  }
.LBB2_1:
0x10: {  	[spmem:s11], [sflag:s6] =	dma.local [hbm:s5], $0x2780  }
0x11: {  	_ =	swait.ge [sflag:s12], $0x2780  }
0x12: {  	[sflag:s12] =	ssyncset.done $0x0  }
0x13: {  	[sflag:s12] =	ssyncadd.s32 $0xFFFFD880  }
0x14: {  	[tilespmem:s4], [sflag:$0x2] =	stream.linear.gather [hbm4b:s7+s4], $0x2800, $0x38;
	[tilespmem:$0x1CC00] =	vst v63  }
0x15: {  	_ =	swait.ge [sflag:s12], $0x2800  }
0x16: {  	[sflag:s12] =	ssyncset.done $0x0  }
0x17: {  	[sflag:s12] =	ssyncadd.s32 $0xFFFFD800  }
0x18: {  	[tilespmem:s13], [sflag:$0x2] =	stream.linear.gather [hbm4b:s8+s4], $0x2800, $0x38;
	[tilespmem:$0x1CC00] =	vst v63  }
0x19: {  	_ =	swait.ge [sflag:s12], $0x2800  }
0x1a: {  	[sflag:s12] =	ssyncset.done $0x0  }
0x1b: {  	[sflag:s12] =	ssyncadd.s32 $0xFFFFD800  }
0x1c: {  	s18 =	simm.s32 $0x0;
	[bflag:$0x0] =	sbarrier.arrive $0xFFFF  }
0x1d: {  	[tilespmem:s15], [sflag:$0x1] =	stream.indirect.gather [hbm4b:s1+s14], $0x80, s18, s14, $0xb8;
	[tilespmem:$0x1CC00] =	vst v63  }
0x1e: {  	_ =	swait.ge [sflag:s16], $0x4000  }
0x1f: {  	[sflag:s16] =	ssyncset.done $0x0  }
0x20: {  	s31 =	simm.s32 $0x2800;
	[sflag:s16] =	ssyncadd.s32 $0xFFFFC000  }
0x21: {  	[spmem:s3] =	stream.indirect.scatter.add.f32 [tilespmem:s15], [sflag:$0x2], $0x80, s31, s14, $0xb8;
	[tilespmem:$0x1CC00] =	vst v63  }
0x22: {  	_ =	swait.ge [sflag:s12], $0x4000  }
0x23: {  	s19 =	simm.s32 $0x400;
	s18 =	simm.s32 $0x200;
	[sflag:s12] =	ssyncset.done $0x0  }
.LBB2_2:
0x24: {  	s20 =	sshra.s32 s18, $0x2  }
0x25: {  	[sflag:s12] =	ssyncadd.s32 $0xFFFFC000;
	s18 =	smov.u32 s19;
	s21 =	sadd.s32 $0x200, s19  }
0x26: {  	[tilespmem:s15], [sflag:$0x1] =	stream.indirect.gather [hbm4b:s1+s14], $0x80, s20, s14, $0xb8;
	[tilespmem:$0x1CC00] =	vst v63  }
0x27: {  	p0 =	sne.s32 s19, $0x9E00;
	_ =	swait.ge [sflag:s16], $0x4000  }
.Ltmp0:
0x28: {  	[sflag:s16] =	ssyncset.done $0x0;
	(pc) =	sbr.rel @p0 .LBB2_2-.Ltmp0, $4  }
0x29: {  	s19 =	sadd.s32 $0x2800, s20;
	[sflag:s16] =	ssyncadd.s32 $0xFFFFC000  }
0x2a: {  	[spmem:s3] =	stream.indirect.scatter.add.f32 [tilespmem:s15], [sflag:$0x2], $0x80, s19, s14, $0xb8;
	[tilespmem:$0x1CC00] =	vst v63  }
0x2b: {  	_ =	swait.ge [sflag:s12], $0x4000  }
0x2c: {  	s19 =	smov.u32 s21;
	[sflag:s12] =	ssyncset.done $0x0  }
0x2d: {  	s18 =	sshra.s32 s18, $0x2;
	[sflag:s12] =	ssyncadd.s32 $0xFFFFC000  }
0x2e: {  	[tilespmem:s15], [sflag:$0x1] =	stream.indirect.gather [hbm4b:s1+s14], $0x80, s18, s14, $0xb8;
	[tilespmem:$0x1CC00] =	vst v63  }
0x2f: {  	_ =	swait.ge [sflag:s16], $0x4000  }
0x30: {  	[sflag:s16] =	ssyncset.done $0x0  }
0x31: {  	s18 =	sadd.s32 $0x2800, s18;
	[sflag:s16] =	ssyncadd.s32 $0xFFFFC000  }
0x32: {  	[spmem:s3] =	stream.indirect.scatter.add.f32 [tilespmem:s15], [sflag:$0x2], $0x80, s18, s14, $0xb8;
	[tilespmem:$0x1CC00] =	vst v63  }
0x33: {  	_ =	swait.ge [sflag:s12], $0x4000  }
0x34: {  	s17 =	sadd.s32 $0x1, s17;
	[sflag:s12] =	ssyncset.done $0x0  }
0x35: {  	p0 =	sne.s32 s17, s10;
	[sflag:s12] =	ssyncadd.s32 $0xFFFFC000  }
.Ltmp1:
0x36: {  	[bflag:$0x0] =	sbarrier.arrive $0xFFFF;
	(pc) =	sbr.rel @p0 .LBB2_1-.Ltmp1, $4  }
0x37: {  	[hbm:s9], [sflag:s6] =	dma.local [spmem:s11], $0x2780  }
0x38: {  	_ =	swait.ge [sflag:s12], $0x2780  }
0x39: {  	[sflag:s12] =	ssyncset.done $0x0  }
0x3a: {  	[sflag:s12] =	ssyncadd.s32 $0xFFFFD880  }
0x3b: {  	_ =	sfence.sel $0x180000  }
0x3c: {  	[bflag:$0x0] =	sbarrier.arrive $0xFFFF  }
0x3d: {  	p0 =	sne.s32 s0, $0x0;
	_ =	strace $0x9000004A  }
0x3e: {  	s0 =	sadd.s32 @!p0 $0x100000, s2;
	[bflag:$0x2] =	sbarrier.arrive $0xFFFF  }
0x3f: {  	[sflag:s0] =	ssyncadd.tile.s32 @!p0 $0x1;
	_ =	shalt  }
.Lfunc_end2:
_tile_overlayer_lowered:
.L_overlay_start_2:
0x40: {  	(tag) =	ssettag $0x2  }
0x41: {  	s0 =	rddreg [dreg:$0x0];
	s2 =	stileid.u32  }
0x42: {  	s1 =	rddreg [dreg:$0x1];
	p0 =	sne.s32 s2, $0x0  }
0x43: {  	s3 =	rddreg [dreg:$0x2];
	[bflag:$0x3] =	sbarrier.arrive $0xFFFF;
	s2 =	simm.s32 @!p0 $0x1C02  }
0x44: {  	[timem:s3], [sflag:s2] =	dma.local @!p0 [hbm:s0], s1  }
0x45: {  	s0 =	simm.s32 @!p0 $0x2  }
0x46: {  	_ =	swait.ge @!p0 [sflag:s0], s1  }
0x47: {  	s1 =	ssub.s32 @!p0 $0x0, s1;
	[sflag:s0] =	ssyncset.done @!p0 $0x0  }
0x48: {  	[sflag:s0] =	ssyncadd.s32 @!p0 s1  }
0x49: {  	[bflag:$0x3] =	sbarrier.arrive $0xFFFF  }
0x4a: {  	_ =	shalt  }

</sc_bundles>
